<compile_context>
chip_gen: v7x
topology: tpu7x:2x2x1
jax: 0.10.2.dev20260603
libtpu: 0.0.44.dev20260713+nightly
codegen_flags: <defaults>
</compile_context>

<pallas_src>
import functools

import jax
import jax.numpy as jnp
from jax import lax
from jax.experimental import pallas as pl
from jax.experimental.pallas import tpu as pltpu
from jax.experimental.pallas import tpu_sc as plsc

NC = 2
NS = 16
NW = NC * NS
LANES = 16
CHUNK = 128


def _pad_kernel_make(e, e_pad, dtype):

    def body(ei_ref, fill_ref, src_ref, dst_ref):
        fill = fill_ref[:]
        src_ref[pl.ds(0, e)] = ei_ref[0]
        src_ref[pl.ds(e, e_pad - e)] = fill
        dst_ref[pl.ds(0, e)] = ei_ref[1]
        dst_ref[pl.ds(e, e_pad - e)] = fill

    return pl.pallas_call(
        body,
        out_shape=(jax.ShapeDtypeStruct((e_pad,), dtype),
                   jax.ShapeDtypeStruct((e_pad,), dtype)),
    )


def _deg_kernel_make(n_acc, cpt):
    mesh = plsc.VectorSubcoreMesh(
        core_axis_name="c", subcore_axis_name="s",
        num_cores=NC, num_subcores=NS)

    @functools.partial(
        pl.kernel,
        out_type=jax.ShapeDtypeStruct((NW, n_acc), jnp.float32),
        mesh=mesh,
        scratch_types=[
            pltpu.VMEM((n_acc,), jnp.float32),
            pltpu.VMEM((cpt, CHUNK), jnp.int32),
        ],
        compiler_params=pltpu.CompilerParams(needs_layout_passes=False),
    )
    def deg_kernel(dst_hbm, zeros_hbm, out_hbm, hist_v, idx_v):
        cid = lax.axis_index("c")
        sid = lax.axis_index("s")
        wid = sid * NC + cid

        pltpu.sync_copy(zeros_hbm, hist_v)
        pltpu.sync_copy(dst_hbm.at[wid], idx_v)

        ones = jnp.ones((LANES,), jnp.float32)

        def body(ci, carry):
            for j in range(CHUNK // LANES):
                idx = idx_v[ci, pl.ds(j * LANES, LANES)]
                plsc.addupdate_scatter(hist_v, [idx], ones)
            return carry

        lax.fori_loop(0, cpt, body, 0)
        pltpu.sync_copy(hist_v, out_hbm.at[wid])

    return deg_kernel


def _agg_kernel_make(n_acc, cpt, h):
    ept = cpt * CHUNK
    rpt = n_acc // NS
    mesh = plsc.VectorSubcoreMesh(
        core_axis_name="c", subcore_axis_name="s",
        num_cores=NC, num_subcores=NS)

    @functools.partial(
        pl.kernel,
        out_type=jax.ShapeDtypeStruct((NC, n_acc, h), jnp.float32),
        mesh=mesh,
        scratch_types=[
            pltpu.VMEM((CHUNK,), jnp.int32),
            pltpu.VMEM((CHUNK,), jnp.int32),
            pltpu.VMEM((CHUNK,), jnp.int32),
            pltpu.VMEM((CHUNK,), jnp.int32),
            pltpu.VMEM((CHUNK,), jnp.int32),
            pltpu.VMEM((CHUNK,), jnp.int32),
            pltpu.VMEM((CHUNK,), jnp.int32),
            pltpu.VMEM((CHUNK,), jnp.int32),
            pltpu.VMEM((CHUNK, h), jnp.float32),
            pltpu.VMEM((CHUNK, h), jnp.float32),
            pltpu.VMEM_SHARED((n_acc, h), jnp.float32),
            pltpu.SemaphoreType.DMA,
            pltpu.SemaphoreType.DMA,
            pltpu.SemaphoreType.DMA,
        ],
        compiler_params=pltpu.CompilerParams(needs_layout_passes=False),
    )
    def agg_kernel(y_hbm, src_hbm, dst_hbm, zeros_hbm, out_hbm,
                   sidx0, sidx1, sidx2, sidx3, didx0, didx1, didx2, didx3,
                   rows0, rows1, agg_s, sem_i, sem_g, sem_s):
        cid = lax.axis_index("c")
        sid = lax.axis_index("s")
        wid = sid * NC + cid
        sidx = (sidx0, sidx1, sidx2, sidx3)
        didx = (didx0, didx1, didx2, didx3)
        rows = (rows0, rows1)

        def idx_copies(c, q):
            base = wid * ept + c * CHUNK
            return (
                pltpu.make_async_copy(
                    src_hbm.at[pl.ds(base, CHUNK)], sidx[q], sem_i),
                pltpu.make_async_copy(
                    dst_hbm.at[pl.ds(base, CHUNK)], didx[q], sem_i),
            )

        def gath(p, q):
            return pltpu.make_async_copy(y_hbm.at[sidx[q]], rows[p], sem_g)

        def scat(p, q):
            return pltpu.make_async_copy(rows[p], agg_s.at[didx[q]], sem_s)

        @pl.when(cid == 0)
        def _():
            pltpu.sync_copy(y_hbm.at[pl.ds(sid * rpt, rpt)],
                            agg_s.at[pl.ds(sid * rpt, rpt)])

        @pl.when(cid != 0)
        def _():
            pltpu.sync_copy(zeros_hbm, rows0)
            for k in range(rpt // CHUNK):
                pltpu.sync_copy(rows0,
                                agg_s.at[pl.ds(sid * rpt + k * CHUNK, CHUNK)])

        plsc.subcore_barrier()

        for cp in idx_copies(0, 0):
            cp.start()
        for cp in idx_copies(1, 1):
            cp.start()

        def quad_body(g, carry):
            for b in range(4):
                c = 4 * g + b
                p = b % 2
                for cp in idx_copies(c, b):
                    cp.wait()

                @pl.when(c > 1)
                def _():
                    scat(p, (b - 2) % 4).wait()

                gath(p, b).start()

                @pl.when(c > 0)
                def _():
                    gath(1 - p, (b - 1) % 4).wait()
                    scat(1 - p, (b - 1) % 4).start(add=True)

                @pl.when(c + 2 < cpt)
                def _():
                    for cp in idx_copies(c + 2, (b + 2) % 4):
                        cp.start()
            return carry

        lax.fori_loop(0, cpt // 4, quad_body, 0)
        gath(1, 3).wait()
        scat(1, 3).start(add=True)
        scat(0, 2).wait()
        scat(1, 3).wait()
        plsc.subcore_barrier()

        pltpu.sync_copy(agg_s.at[pl.ds(sid * rpt, rpt)],
                        out_hbm.at[cid, pl.ds(sid * rpt, rpt)])

    return agg_kernel


def _scale_kernel_make(n, n_acc, d, h):

    def body(x_ref, w_ref, p_ref, y_ref, dis_ref):
        xw = jnp.dot(x_ref[:], w_ref[:],
                     preferred_element_type=jnp.float32)
        ones = jnp.ones((NW, 1), jnp.float32)
        deg = lax.dot_general(p_ref[:], ones,
                              (((0,), (0,)), ((), ()))) + 1.0
        dis = lax.rsqrt(deg)
        dis_ref[:] = dis
        y_ref[pl.ds(0, n)] = xw * dis[:n]
        y_ref[pl.ds(n, n_acc - n)] = jnp.zeros((n_acc - n, h), jnp.float32)

    return pl.pallas_call(
        body,
        out_shape=(jax.ShapeDtypeStruct((n_acc, h), jnp.float32),
                   jax.ShapeDtypeStruct((n_acc, 1), jnp.float32)),
    )


def _merge_kernel_make(n, h, nb):
    bn = n // nb

    def body(pc_ref, dis_ref, b_ref, o_ref):
        o_ref[:] = jnp.maximum(
            (pc_ref[0] + pc_ref[1]) * dis_ref[:] + b_ref[:], 0.0)

    return pl.pallas_call(
        body,
        grid=(nb,),
        in_specs=[
            pl.BlockSpec((NC, bn, h), lambda i: (0, i, 0)),
            pl.BlockSpec((bn, 1), lambda i: (i, 0)),
            pl.BlockSpec((1, h), lambda i: (0, 0)),
        ],
        out_specs=pl.BlockSpec((bn, h), lambda i: (i, 0)),
        out_shape=jax.ShapeDtypeStruct((n, h), jnp.float32),
    )


def kernel(x, edge_index, W, b):
    n, d = x.shape
    h = W.shape[1]
    e = edge_index.shape[1]

    cpt = -(-e // (NW * CHUNK))
    cpt += (-cpt) % 4
    e_pad = cpt * CHUNK * NW
    n_acc = -(-(n + 1) // (NS * CHUNK)) * (NS * CHUNK)

    fill = (n + jnp.arange(e_pad - e, dtype=edge_index.dtype)
            % jnp.asarray(n_acc - n, edge_index.dtype))
    src, dst = _pad_kernel_make(e, e_pad, edge_index.dtype)(edge_index, fill)
    dst3 = dst.reshape(NW, cpt, CHUNK)
    zeros_stripe = jnp.zeros((CHUNK, h), jnp.float32)
    zeros_hist = jnp.zeros((n_acc,), jnp.float32)

    partials = _deg_kernel_make(n_acc, cpt)(dst3, zeros_hist)
    y, dis = _scale_kernel_make(n, n_acc, d, h)(x, W, partials)
    pc = _agg_kernel_make(n_acc, cpt, h)(y, src, dst, zeros_stripe)
    return _merge_kernel_make(n, h, 5)(pc, dis, b[None, :])

# --- scband reference (transcript-rebuilt; emitter-appended) ---
"""Pipeline reference for scband-encoder-2001454760094 (READ-ONLY COPY).

The authoritative reference and input builder live on the scoring server;
editing this copy changes nothing except your own understanding.
"""

import jax, jax.numpy as jnp
import numpy as np

N, E, D, H = 10000, 320000, 128, 128

def setup_inputs(seed: int = 0) -> dict:
    key = jax.random.key(seed)
    k1, k2, k3 = jax.random.split(key, 3)
    x = jax.random.normal(k1, (N, D), dtype=jnp.float32)
    edge_index = jax.random.randint(k2, (2, E), 0, N, dtype=jnp.int32)
    # GCNConv learned params: weight [D, H] (glorot-ish) and bias [H]
    W = jax.random.normal(k3, (D, H), dtype=jnp.float32) * (1.0 / np.sqrt(D))
    b = jnp.zeros((H,), dtype=jnp.float32)
    return {"x": x, "edge_index": edge_index, "W": W, "b": b}

def reference(x, edge_index, W, b):
    # GCNConv with self-loops and symmetric normalization, followed by ReLU
    n = x.shape[0]
    loop = jnp.arange(n, dtype=edge_index.dtype)
    src = jnp.concatenate([edge_index[0], loop])
    dst = jnp.concatenate([edge_index[1], loop])
    xw = x @ W                                   # dense transform
    deg = jnp.zeros((n,), dtype=x.dtype).at[dst].add(1.0)   # scatter-add degree
    deg_inv_sqrt = jnp.where(deg > 0, deg ** -0.5, 0.0)
    norm = deg_inv_sqrt[src] * deg_inv_sqrt[dst]            # gather
    msgs = xw[src] * norm[:, None]                          # gather rows
    out = jnp.zeros_like(xw).at[dst].add(msgs)              # scatter-add aggregate
    out = out + b
    return jax.nn.relu(out)

if __name__ == "__main__":
    import jax
    _d = setup_inputs()
    print(jax.jit(kernel)(*tuple(_d.values())))

</pallas_src>

<mosaic_0001>
#map = affine_map<(d0, d1) -> (0, 0, 0)>
#map1 = affine_map<(d0, d1) -> (0)>
#map2 = affine_map<(d0, d1) -> (0, 0)>
module attributes {stable_mosaic.version = 14 : i64} {
  func.func @deg_kernel(%arg0: i32, %arg1: i32, %arg2: memref<32x80x128xi32, #tpu.memory_space<hbm>>, %arg3: memref<10240xf32, #tpu.memory_space<hbm>>, %arg4: memref<32x10240xf32, #tpu.memory_space<hbm>>, %arg5: memref<10240xf32, #tpu.memory_space<vmem>>, %arg6: memref<80x128xi32, #tpu.memory_space<vmem>>) attributes {dimension_semantics = [#tpu.dimension_semantics<core_parallel>, #tpu.dimension_semantics<subcore_parallel>], iteration_bounds = array<i64: 2, 16>, scalar_prefetch = 0 : i64, scratch_operands = 2 : i64, tpu.core_type = #tpu.core_type<sc_vector_subcore>, window_params = [{transform_indices = #map}, {transform_indices = #map1}, {transform_indices = #map2}]} {
    %mul3A = arith.constant 2 : i32
    %mul3A_0 = arith.muli %arg1, %mul3A : i32
    %add3A = arith.addi %mul3A_0, %arg0 : i32
    "tpu.region"() ({
      %run_scoped3A = tpu.sem_alloc : memref<!tpu.dma_semaphore, #tpu.memory_space<semaphore_mem>>
      tpu.enqueue_dma source(%arg3 : memref<10240xf32, #tpu.memory_space<hbm>>) target(%arg5 : memref<10240xf32, #tpu.memory_space<vmem>>) target_semaphore(%run_scoped3A : memref<!tpu.dma_semaphore, #tpu.memory_space<semaphore_mem>>)
      tpu.wait_dma2 semaphore(%run_scoped3A : memref<!tpu.dma_semaphore, #tpu.memory_space<semaphore_mem>>) src(%arg3 : memref<10240xf32, #tpu.memory_space<hbm>>) dst(%arg5 : memref<10240xf32, #tpu.memory_space<vmem>>)
      tpu.yield
    }) : () -> ()
    "tpu.region"() ({
      %run_scoped3A = tpu.sem_alloc : memref<!tpu.dma_semaphore, #tpu.memory_space<semaphore_mem>>
      %dma_start3A = arith.constant 0 : i32
      %dma_start3A_7 = arith.constant 0 : i32
      %dma_start3A_8 = tpu.memref_slice %arg2[%add3A, %dma_start3A, %dma_start3A_7] : memref<32x80x128xi32, #tpu.memory_space<hbm>> -> memref<1x80x128xi32, #tpu.memory_space<hbm>>
      %dma_start3A_9 = tpu.memref_squeeze %dma_start3A_8 : memref<1x80x128xi32, #tpu.memory_space<hbm>> -> memref<80x128xi32, #tpu.memory_space<hbm>>
      %dma_start3A_10 = arith.constant 0 : i32
      %dma_start3A_11 = arith.constant 0 : i32
      %dma_start3A_12 = tpu.memref_slice %arg2[%add3A, %dma_start3A_10, %dma_start3A_11] : memref<32x80x128xi32, #tpu.memory_space<hbm>> -> memref<1x80x128xi32, #tpu.memory_space<hbm>>
      %dma_start3A_13 = tpu.memref_squeeze %dma_start3A_12 : memref<1x80x128xi32, #tpu.memory_space<hbm>> -> memref<80x128xi32, #tpu.memory_space<hbm>>
      tpu.enqueue_dma source(%dma_start3A_13 : memref<80x128xi32, #tpu.memory_space<hbm>>) target(%arg6 : memref<80x128xi32, #tpu.memory_space<vmem>>) target_semaphore(%run_scoped3A : memref<!tpu.dma_semaphore, #tpu.memory_space<semaphore_mem>>)
      %dma_wait3A = arith.constant 0 : i32
      %dma_wait3A_14 = arith.constant 0 : i32
      %dma_wait3A_15 = tpu.memref_slice %arg2[%add3A, %dma_wait3A, %dma_wait3A_14] : memref<32x80x128xi32, #tpu.memory_space<hbm>> -> memref<1x80x128xi32, #tpu.memory_space<hbm>>
      %dma_wait3A_16 = tpu.memref_squeeze %dma_wait3A_15 : memref<1x80x128xi32, #tpu.memory_space<hbm>> -> memref<80x128xi32, #tpu.memory_space<hbm>>
      %dma_wait3A_17 = arith.constant 0 : i32
      %dma_wait3A_18 = arith.constant 0 : i32
      %dma_wait3A_19 = tpu.memref_slice %arg2[%add3A, %dma_wait3A_17, %dma_wait3A_18] : memref<32x80x128xi32, #tpu.memory_space<hbm>> -> memref<1x80x128xi32, #tpu.memory_space<hbm>>
      %dma_wait3A_20 = tpu.memref_squeeze %dma_wait3A_19 : memref<1x80x128xi32, #tpu.memory_space<hbm>> -> memref<80x128xi32, #tpu.memory_space<hbm>>
      tpu.wait_dma2 semaphore(%run_scoped3A : memref<!tpu.dma_semaphore, #tpu.memory_space<semaphore_mem>>) src(%dma_wait3A_20 : memref<80x128xi32, #tpu.memory_space<hbm>>) dst(%arg6 : memref<80x128xi32, #tpu.memory_space<vmem>>)
      tpu.yield
    }) : () -> ()
    %broadcast_in_dim3A = arith.constant 1.000000e+00 : f32
    %broadcast_in_dim3A_1 = vector.broadcast %broadcast_in_dim3A : f32 to vector<16xf32>
    %scan3A = arith.constant 0 : i32
    %scan3A_2 = arith.constant 0 : i32
    %scan3A_3 = arith.constant 80 : i32
    %scan3A_4 = arith.addi %scan3A_2, %scan3A_3 : i32
    %scan3A_5 = arith.constant 1 : i32
    scf.for %scan3A_7 = %scan3A_2 to %scan3A_4 step %scan3A_5  : i32 {
      %get3A = arith.index_cast %scan3A_7 : i32 to index
      %get3A_8 = arith.constant 0 : index
      %get3A_9 = tpu.vector_load %arg6[%get3A, %get3A_8] {strides = array<i32>} : memref<80x128xi32, #tpu.memory_space<vmem>>, vector<16xi32>,
      tpu.vector_store_idx %arg5[%get3A_9], %broadcast_in_dim3A_1 {add = true} : memref<10240xf32, #tpu.memory_space<vmem>>[vector<16xi32>], vector<16xf32>,
      %get3A_10 = arith.index_cast %scan3A_7 : i32 to index
      %get3A_11 = arith.constant 16 : index
      %get3A_12 = tpu.vector_load %arg6[%get3A_10, %get3A_11] {strides = array<i32>} : memref<80x128xi32, #tpu.memory_space<vmem>>, vector<16xi32>,
      tpu.vector_store_idx %arg5[%get3A_12], %broadcast_in_dim3A_1 {add = true} : memref<10240xf32, #tpu.memory_space<vmem>>[vector<16xi32>], vector<16xf32>,
      %get3A_13 = arith.index_cast %scan3A_7 : i32 to index
      %get3A_14 = arith.constant 32 : index
      %get3A_15 = tpu.vector_load %arg6[%get3A_13, %get3A_14] {strides = array<i32>} : memref<80x128xi32, #tpu.memory_space<vmem>>, vector<16xi32>,
      tpu.vector_store_idx %arg5[%get3A_15], %broadcast_in_dim3A_1 {add = true} : memref<10240xf32, #tpu.memory_space<vmem>>[vector<16xi32>], vector<16xf32>,
      %get3A_16 = arith.index_cast %scan3A_7 : i32 to index
      %get3A_17 = arith.constant 48 : index
      %get3A_18 = tpu.vector_load %arg6[%get3A_16, %get3A_17] {strides = array<i32>} : memref<80x128xi32, #tpu.memory_space<vmem>>, vector<16xi32>,
      tpu.vector_store_idx %arg5[%get3A_18], %broadcast_in_dim3A_1 {add = true} : memref<10240xf32, #tpu.memory_space<vmem>>[vector<16xi32>], vector<16xf32>,
      %get3A_19 = arith.index_cast %scan3A_7 : i32 to index
      %get3A_20 = arith.constant 64 : index
      %get3A_21 = tpu.vector_load %arg6[%get3A_19, %get3A_20] {strides = array<i32>} : memref<80x128xi32, #tpu.memory_space<vmem>>, vector<16xi32>,
      tpu.vector_store_idx %arg5[%get3A_21], %broadcast_in_dim3A_1 {add = true} : memref<10240xf32, #tpu.memory_space<vmem>>[vector<16xi32>], vector<16xf32>,
      %get3A_22 = arith.index_cast %scan3A_7 : i32 to index
      %get3A_23 = arith.constant 80 : index
      %get3A_24 = tpu.vector_load %arg6[%get3A_22, %get3A_23] {strides = array<i32>} : memref<80x128xi32, #tpu.memory_space<vmem>>, vector<16xi32>,
      tpu.vector_store_idx %arg5[%get3A_24], %broadcast_in_dim3A_1 {add = true} : memref<10240xf32, #tpu.memory_space<vmem>>[vector<16xi32>], vector<16xf32>,
      %get3A_25 = arith.index_cast %scan3A_7 : i32 to index
      %get3A_26 = arith.constant 96 : index
      %get3A_27 = tpu.vector_load %arg6[%get3A_25, %get3A_26] {strides = array<i32>} : memref<80x128xi32, #tpu.memory_space<vmem>>, vector<16xi32>,
      tpu.vector_store_idx %arg5[%get3A_27], %broadcast_in_dim3A_1 {add = true} : memref<10240xf32, #tpu.memory_space<vmem>>[vector<16xi32>], vector<16xf32>,
      %get3A_28 = arith.index_cast %scan3A_7 : i32 to index
      %get3A_29 = arith.constant 112 : index
      %get3A_30 = tpu.vector_load %arg6[%get3A_28, %get3A_29] {strides = array<i32>} : memref<80x128xi32, #tpu.memory_space<vmem>>, vector<16xi32>,
      tpu.vector_store_idx %arg5[%get3A_30], %broadcast_in_dim3A_1 {add = true} : memref<10240xf32, #tpu.memory_space<vmem>>[vector<16xi32>], vector<16xf32>,
    }
    %scan3A_6 = arith.constant 80 : i32
    "tpu.region"() ({
      %run_scoped3A = tpu.sem_alloc : memref<!tpu.dma_semaphore, #tpu.memory_space<semaphore_mem>>
      %dma_start3A = arith.constant 0 : i32
      %dma_start3A_7 = tpu.memref_slice %arg4[%add3A, %dma_start3A] : memref<32x10240xf32, #tpu.memory_space<hbm>> -> memref<1x10240xf32, #tpu.memory_space<hbm>>
      %dma_start3A_8 = tpu.memref_squeeze %dma_start3A_7 : memref<1x10240xf32, #tpu.memory_space<hbm>> -> memref<10240xf32, #tpu.memory_space<hbm>>
      %dma_start3A_9 = arith.constant 0 : i32
      %dma_start3A_10 = tpu.memref_slice %arg4[%add3A, %dma_start3A_9] : memref<32x10240xf32, #tpu.memory_space<hbm>> -> memref<1x10240xf32, #tpu.memory_space<hbm>>
      %dma_start3A_11 = tpu.memref_squeeze %dma_start3A_10 : memref<1x10240xf32, #tpu.memory_space<hbm>> -> memref<10240xf32, #tpu.memory_space<hbm>>
      tpu.enqueue_dma source(%arg5 : memref<10240xf32, #tpu.memory_space<vmem>>) target(%dma_start3A_11 : memref<10240xf32, #tpu.memory_space<hbm>>) target_semaphore(%run_scoped3A : memref<!tpu.dma_semaphore, #tpu.memory_space<semaphore_mem>>)
      %dma_wait3A = arith.constant 0 : i32
      %dma_wait3A_12 = tpu.memref_slice %arg4[%add3A, %dma_wait3A] : memref<32x10240xf32, #tpu.memory_space<hbm>> -> memref<1x10240xf32, #tpu.memory_space<hbm>>
      %dma_wait3A_13 = tpu.memref_squeeze %dma_wait3A_12 : memref<1x10240xf32, #tpu.memory_space<hbm>> -> memref<10240xf32, #tpu.memory_space<hbm>>
      %dma_wait3A_14 = arith.constant 0 : i32
      %dma_wait3A_15 = tpu.memref_slice %arg4[%add3A, %dma_wait3A_14] : memref<32x10240xf32, #tpu.memory_space<hbm>> -> memref<1x10240xf32, #tpu.memory_space<hbm>>
      %dma_wait3A_16 = tpu.memref_squeeze %dma_wait3A_15 : memref<1x10240xf32, #tpu.memory_space<hbm>> -> memref<10240xf32, #tpu.memory_space<hbm>>
      tpu.wait_dma2 semaphore(%run_scoped3A : memref<!tpu.dma_semaphore, #tpu.memory_space<semaphore_mem>>) src(%arg5 : memref<10240xf32, #tpu.memory_space<vmem>>) dst(%dma_wait3A_16 : memref<10240xf32, #tpu.memory_space<hbm>>)
      tpu.yield
    }) : () -> ()
    return
  }
}

#map = affine_map<(d0, d1) -> (0, 0)>
#map1 = affine_map<(d0, d1) -> (0)>
#map2 = affine_map<(d0, d1) -> (0, 0, 0)>
module attributes {stable_mosaic.version = 14 : i64} {
  func.func @agg_kernel(%arg0: i32, %arg1: i32, %arg2: memref<10240x128xf32, #tpu.memory_space<hbm>>, %arg3: memref<327680xi32, #tpu.memory_space<hbm>>, %arg4: memref<327680xi32, #tpu.memory_space<hbm>>, %arg5: memref<128x128xf32, #tpu.memory_space<hbm>>, %arg6: memref<2x10240x128xf32, #tpu.memory_space<hbm>>, %arg7: memref<128xi32, #tpu.memory_space<vmem>>, %arg8: memref<128xi32, #tpu.memory_space<vmem>>, %arg9: memref<128xi32, #tpu.memory_space<vmem>>, %arg10: memref<128xi32, #tpu.memory_space<vmem>>, %arg11: memref<128xi32, #tpu.memory_space<vmem>>, %arg12: memref<128xi32, #tpu.memory_space<vmem>>, %arg13: memref<128xi32, #tpu.memory_space<vmem>>, %arg14: memref<128xi32, #tpu.memory_space<vmem>>, %arg15: memref<128x128xf32, #tpu.memory_space<vmem>>, %arg16: memref<128x128xf32, #tpu.memory_space<vmem>>, %arg17: memref<10240x128xf32, #tpu.memory_space<vmem_shared>>, %arg18: memref<!tpu.dma_semaphore, #tpu.memory_space<semaphore_mem>>, %arg19: memref<!tpu.dma_semaphore, #tpu.memory_space<semaphore_mem>>, %arg20: memref<!tpu.dma_semaphore, #tpu.memory_space<semaphore_mem>>) attributes {dimension_semantics = [#tpu.dimension_semantics<core_parallel>, #tpu.dimension_semantics<subcore_parallel>], iteration_bounds = array<i64: 2, 16>, scalar_prefetch = 0 : i64, scratch_operands = 14 : i64, tpu.core_type = #tpu.core_type<sc_vector_subcore>, window_params = [{transform_indices = #map}, {transform_indices = #map1}, {transform_indices = #map1}, {transform_indices = #map}, {transform_indices = #map2}]} {
    %mul3A = arith.constant 2 : i32
    %mul3A_0 = arith.muli %arg1, %mul3A : i32
    %add3A = arith.addi %mul3A_0, %arg0 : i32
    %eq3A = arith.constant 0 : i32
    %eq3A_1 = arith.cmpi eq, %arg0, %eq3A : i32
    %convert_element_type3A = arith.extui %eq3A_1 : i1 to i32
    %cond3A = arith.constant 0 : i32
    %cond3A_2 = arith.cmpi ne, %convert_element_type3A, %cond3A : i32
    scf.if %cond3A_2 {
      %mul3A_43 = arith.constant 640 : i32
      %mul3A_44 = arith.muli %arg1, %mul3A_43 : i32
      %mul3A_45 = arith.constant 640 : i32
      %mul3A_46 = arith.muli %arg1, %mul3A_45 : i32
      "tpu.region"() ({
        %run_scoped3A = tpu.sem_alloc : memref<!tpu.dma_semaphore, #tpu.memory_space<semaphore_mem>>
        %dma_start3A_47 = arith.constant 0 : i32
        %dma_start3A_48 = tpu.memref_slice %arg17[%mul3A_46, %dma_start3A_47] : memref<10240x128xf32, #tpu.memory_space<vmem_shared>> -> memref<640x128xf32, #tpu.memory_space<vmem_shared>>
        %dma_start3A_49 = arith.constant 0 : i32
        %dma_start3A_50 = tpu.memref_slice %arg2[%mul3A_44, %dma_start3A_49] : memref<10240x128xf32, #tpu.memory_space<hbm>> -> memref<640x128xf32, #tpu.memory_space<hbm>>
        tpu.enqueue_dma source(%dma_start3A_50 : memref<640x128xf32, #tpu.memory_space<hbm>>) target(%dma_start3A_48 : memref<640x128xf32, #tpu.memory_space<vmem_shared>>) target_semaphore(%run_scoped3A : memref<!tpu.dma_semaphore, #tpu.memory_space<semaphore_mem>>)
        %dma_wait3A_51 = arith.constant 0 : i32
        %dma_wait3A_52 = tpu.memref_slice %arg17[%mul3A_46, %dma_wait3A_51] : memref<10240x128xf32, #tpu.memory_space<vmem_shared>> -> memref<640x128xf32, #tpu.memory_space<vmem_shared>>
        %dma_wait3A_53 = arith.constant 0 : i32
        %dma_wait3A_54 = tpu.memref_slice %arg2[%mul3A_44, %dma_wait3A_53] : memref<10240x128xf32, #tpu.memory_space<hbm>> -> memref<640x128xf32, #tpu.memory_space<hbm>>
        tpu.wait_dma2 semaphore(%run_scoped3A : memref<!tpu.dma_semaphore, #tpu.memory_space<semaphore_mem>>) src(%dma_wait3A_54 : memref<640x128xf32, #tpu.memory_space<hbm>>) dst(%dma_wait3A_52 : memref<640x128xf32, #tpu.memory_space<vmem_shared>>)
        tpu.yield
      }) : () -> ()
    } else {
    }
    %ne3A = arith.constant 0 : i32
    %ne3A_3 = arith.cmpi ne, %arg0, %ne3A : i32
    %convert_element_type3A_4 = arith.extui %ne3A_3 : i1 to i32
    %cond3A_5 = arith.constant 0 : i32
    %cond3A_6 = arith.cmpi ne, %convert_element_type3A_4, %cond3A_5 : i32
    scf.if %cond3A_6 {
      "tpu.region"() ({
        %run_scoped3A = tpu.sem_alloc : memref<!tpu.dma_semaphore, #tpu.memory_space<semaphore_mem>>
        tpu.enqueue_dma source(%arg5 : memref<128x128xf32, #tpu.memory_space<hbm>>) target(%arg15 : memref<128x128xf32, #tpu.memory_space<vmem>>) target_semaphore(%run_scoped3A : memref<!tpu.dma_semaphore, #tpu.memory_space<semaphore_mem>>)
        tpu.wait_dma2 semaphore(%run_scoped3A : memref<!tpu.dma_semaphore, #tpu.memory_space<semaphore_mem>>) src(%arg5 : memref<128x128xf32, #tpu.memory_space<hbm>>) dst(%arg15 : memref<128x128xf32, #tpu.memory_space<vmem>>)
        tpu.yield
      }) : () -> ()
      %mul3A_43 = arith.constant 640 : i32
      %mul3A_44 = arith.muli %arg1, %mul3A_43 : i32
      %add3A_45 = arith.constant 0 : i32
      %add3A_46 = arith.addi %mul3A_44, %add3A_45 : i32
      "tpu.region"() ({
        %run_scoped3A = tpu.sem_alloc : memref<!tpu.dma_semaphore, #tpu.memory_space<semaphore_mem>>
        %dma_start3A_63 = arith.constant 0 : i32
        %dma_start3A_64 = tpu.memref_slice %arg17[%add3A_46, %dma_start3A_63] : memref<10240x128xf32, #tpu.memory_space<vmem_shared>> -> memref<128x128xf32, #tpu.memory_space<vmem_shared>>
        %dma_start3A_65 = arith.constant 0 : i32
        %dma_start3A_66 = tpu.memref_slice %arg17[%add3A_46, %dma_start3A_65] : memref<10240x128xf32, #tpu.memory_space<vmem_shared>> -> memref<128x128xf32, #tpu.memory_space<vmem_shared>>
        tpu.enqueue_dma source(%arg15 : memref<128x128xf32, #tpu.memory_space<vmem>>) target(%dma_start3A_66 : memref<128x128xf32, #tpu.memory_space<vmem_shared>>) target_semaphore(%run_scoped3A : memref<!tpu.dma_semaphore, #tpu.memory_space<semaphore_mem>>)
        %dma_wait3A_67 = arith.constant 0 : i32
        %dma_wait3A_68 = tpu.memref_slice %arg17[%add3A_46, %dma_wait3A_67] : memref<10240x128xf32, #tpu.memory_space<vmem_shared>> -> memref<128x128xf32, #tpu.memory_space<vmem_shared>>
        %dma_wait3A_69 = arith.constant 0 : i32
        %dma_wait3A_70 = tpu.memref_slice %arg17[%add3A_46, %dma_wait3A_69] : memref<10240x128xf32, #tpu.memory_space<vmem_shared>> -> memref<128x128xf32, #tpu.memory_space<vmem_shared>>
        tpu.wait_dma2 semaphore(%run_scoped3A : memref<!tpu.dma_semaphore, #tpu.memory_space<semaphore_mem>>) src(%arg15 : memref<128x128xf32, #tpu.memory_space<vmem>>) dst(%dma_wait3A_70 : memref<128x128xf32, #tpu.memory_space<vmem_shared>>)
        tpu.yield
      }) : () -> ()
      %mul3A_47 = arith.constant 640 : i32
      %mul3A_48 = arith.muli %arg1, %mul3A_47 : i32
      %add3A_49 = arith.constant 128 : i32
      %add3A_50 = arith.addi %mul3A_48, %add3A_49 : i32
      "tpu.region"() ({
        %run_scoped3A = tpu.sem_alloc : memref<!tpu.dma_semaphore, #tpu.memory_space<semaphore_mem>>
        %dma_start3A_63 = arith.constant 0 : i32
        %dma_start3A_64 = tpu.memref_slice %arg17[%add3A_50, %dma_start3A_63] : memref<10240x128xf32, #tpu.memory_space<vmem_shared>> -> memref<128x128xf32, #tpu.memory_space<vmem_shared>>
        %dma_start3A_65 = arith.constant 0 : i32
        %dma_start3A_66 = tpu.memref_slice %arg17[%add3A_50, %dma_start3A_65] : memref<10240x128xf32, #tpu.memory_space<vmem_shared>> -> memref<128x128xf32, #tpu.memory_space<vmem_shared>>
        tpu.enqueue_dma source(%arg15 : memref<128x128xf32, #tpu.memory_space<vmem>>) target(%dma_start3A_66 : memref<128x128xf32, #tpu.memory_space<vmem_shared>>) target_semaphore(%run_scoped3A : memref<!tpu.dma_semaphore, #tpu.memory_space<semaphore_mem>>)
        %dma_wait3A_67 = arith.constant 0 : i32
        %dma_wait3A_68 = tpu.memref_slice %arg17[%add3A_50, %dma_wait3A_67] : memref<10240x128xf32, #tpu.memory_space<vmem_shared>> -> memref<128x128xf32, #tpu.memory_space<vmem_shared>>
        %dma_wait3A_69 = arith.constant 0 : i32
        %dma_wait3A_70 = tpu.memref_slice %arg17[%add3A_50, %dma_wait3A_69] : memref<10240x128xf32, #tpu.memory_space<vmem_shared>> -> memref<128x128xf32, #tpu.memory_space<vmem_shared>>
        tpu.wait_dma2 semaphore(%run_scoped3A : memref<!tpu.dma_semaphore, #tpu.memory_space<semaphore_mem>>) src(%arg15 : memref<128x128xf32, #tpu.memory_space<vmem>>) dst(%dma_wait3A_70 : memref<128x128xf32, #tpu.memory_space<vmem_shared>>)
        tpu.yield
      }) : () -> ()
      %mul3A_51 = arith.constant 640 : i32
      %mul3A_52 = arith.muli %arg1, %mul3A_51 : i32
      %add3A_53 = arith.constant 256 : i32
      %add3A_54 = arith.addi %mul3A_52, %add3A_53 : i32
      "tpu.region"() ({
        %run_scoped3A = tpu.sem_alloc : memref<!tpu.dma_semaphore, #tpu.memory_space<semaphore_mem>>
        %dma_start3A_63 = arith.constant 0 : i32
        %dma_start3A_64 = tpu.memref_slice %arg17[%add3A_54, %dma_start3A_63] : memref<10240x128xf32, #tpu.memory_space<vmem_shared>> -> memref<128x128xf32, #tpu.memory_space<vmem_shared>>
        %dma_start3A_65 = arith.constant 0 : i32
        %dma_start3A_66 = tpu.memref_slice %arg17[%add3A_54, %dma_start3A_65] : memref<10240x128xf32, #tpu.memory_space<vmem_shared>> -> memref<128x128xf32, #tpu.memory_space<vmem_shared>>
        tpu.enqueue_dma source(%arg15 : memref<128x128xf32, #tpu.memory_space<vmem>>) target(%dma_start3A_66 : memref<128x128xf32, #tpu.memory_space<vmem_shared>>) target_semaphore(%run_scoped3A : memref<!tpu.dma_semaphore, #tpu.memory_space<semaphore_mem>>)
        %dma_wait3A_67 = arith.constant 0 : i32
        %dma_wait3A_68 = tpu.memref_slice %arg17[%add3A_54, %dma_wait3A_67] : memref<10240x128xf32, #tpu.memory_space<vmem_shared>> -> memref<128x128xf32, #tpu.memory_space<vmem_shared>>
        %dma_wait3A_69 = arith.constant 0 : i32
        %dma_wait3A_70 = tpu.memref_slice %arg17[%add3A_54, %dma_wait3A_69] : memref<10240x128xf32, #tpu.memory_space<vmem_shared>> -> memref<128x128xf32, #tpu.memory_space<vmem_shared>>
        tpu.wait_dma2 semaphore(%run_scoped3A : memref<!tpu.dma_semaphore, #tpu.memory_space<semaphore_mem>>) src(%arg15 : memref<128x128xf32, #tpu.memory_space<vmem>>) dst(%dma_wait3A_70 : memref<128x128xf32, #tpu.memory_space<vmem_shared>>)
        tpu.yield
      }) : () -> ()
      %mul3A_55 = arith.constant 640 : i32
      %mul3A_56 = arith.muli %arg1, %mul3A_55 : i32
      %add3A_57 = arith.constant 384 : i32
      %add3A_58 = arith.addi %mul3A_56, %add3A_57 : i32
      "tpu.region"() ({
        %run_scoped3A = tpu.sem_alloc : memref<!tpu.dma_semaphore, #tpu.memory_space<semaphore_mem>>
        %dma_start3A_63 = arith.constant 0 : i32
        %dma_start3A_64 = tpu.memref_slice %arg17[%add3A_58, %dma_start3A_63] : memref<10240x128xf32, #tpu.memory_space<vmem_shared>> -> memref<128x128xf32, #tpu.memory_space<vmem_shared>>
        %dma_start3A_65 = arith.constant 0 : i32
        %dma_start3A_66 = tpu.memref_slice %arg17[%add3A_58, %dma_start3A_65] : memref<10240x128xf32, #tpu.memory_space<vmem_shared>> -> memref<128x128xf32, #tpu.memory_space<vmem_shared>>
        tpu.enqueue_dma source(%arg15 : memref<128x128xf32, #tpu.memory_space<vmem>>) target(%dma_start3A_66 : memref<128x128xf32, #tpu.memory_space<vmem_shared>>) target_semaphore(%run_scoped3A : memref<!tpu.dma_semaphore, #tpu.memory_space<semaphore_mem>>)
        %dma_wait3A_67 = arith.constant 0 : i32
        %dma_wait3A_68 = tpu.memref_slice %arg17[%add3A_58, %dma_wait3A_67] : memref<10240x128xf32, #tpu.memory_space<vmem_shared>> -> memref<128x128xf32, #tpu.memory_space<vmem_shared>>
        %dma_wait3A_69 = arith.constant 0 : i32
        %dma_wait3A_70 = tpu.memref_slice %arg17[%add3A_58, %dma_wait3A_69] : memref<10240x128xf32, #tpu.memory_space<vmem_shared>> -> memref<128x128xf32, #tpu.memory_space<vmem_shared>>
        tpu.wait_dma2 semaphore(%run_scoped3A : memref<!tpu.dma_semaphore, #tpu.memory_space<semaphore_mem>>) src(%arg15 : memref<128x128xf32, #tpu.memory_space<vmem>>) dst(%dma_wait3A_70 : memref<128x128xf32, #tpu.memory_space<vmem_shared>>)
        tpu.yield
      }) : () -> ()
      %mul3A_59 = arith.constant 640 : i32
      %mul3A_60 = arith.muli %arg1, %mul3A_59 : i32
      %add3A_61 = arith.constant 512 : i32
      %add3A_62 = arith.addi %mul3A_60, %add3A_61 : i32
      "tpu.region"() ({
        %run_scoped3A = tpu.sem_alloc : memref<!tpu.dma_semaphore, #tpu.memory_space<semaphore_mem>>
        %dma_start3A_63 = arith.constant 0 : i32
        %dma_start3A_64 = tpu.memref_slice %arg17[%add3A_62, %dma_start3A_63] : memref<10240x128xf32, #tpu.memory_space<vmem_shared>> -> memref<128x128xf32, #tpu.memory_space<vmem_shared>>
        %dma_start3A_65 = arith.constant 0 : i32
        %dma_start3A_66 = tpu.memref_slice %arg17[%add3A_62, %dma_start3A_65] : memref<10240x128xf32, #tpu.memory_space<vmem_shared>> -> memref<128x128xf32, #tpu.memory_space<vmem_shared>>
        tpu.enqueue_dma source(%arg15 : memref<128x128xf32, #tpu.memory_space<vmem>>) target(%dma_start3A_66 : memref<128x128xf32, #tpu.memory_space<vmem_shared>>) target_semaphore(%run_scoped3A : memref<!tpu.dma_semaphore, #tpu.memory_space<semaphore_mem>>)
        %dma_wait3A_67 = arith.constant 0 : i32
        %dma_wait3A_68 = tpu.memref_slice %arg17[%add3A_62, %dma_wait3A_67] : memref<10240x128xf32, #tpu.memory_space<vmem_shared>> -> memref<128x128xf32, #tpu.memory_space<vmem_shared>>
        %dma_wait3A_69 = arith.constant 0 : i32
        %dma_wait3A_70 = tpu.memref_slice %arg17[%add3A_62, %dma_wait3A_69] : memref<10240x128xf32, #tpu.memory_space<vmem_shared>> -> memref<128x128xf32, #tpu.memory_space<vmem_shared>>
        tpu.wait_dma2 semaphore(%run_scoped3A : memref<!tpu.dma_semaphore, #tpu.memory_space<semaphore_mem>>) src(%arg15 : memref<128x128xf32, #tpu.memory_space<vmem>>) dst(%dma_wait3A_70 : memref<128x128xf32, #tpu.memory_space<vmem_shared>>)
        tpu.yield
      }) : () -> ()
    } else {
    }
    %barrier3A = arith.constant 0 : index
    tpu.barrier barrier_id(%barrier3A)
    %mul3A_7 = arith.constant 10240 : i32
    %mul3A_8 = arith.muli %add3A, %mul3A_7 : i32
    %add3A_9 = arith.constant 0 : i32
    %add3A_10 = arith.addi %mul3A_8, %add3A_9 : i32
    %dma_start3A = tpu.memref_slice %arg3[%add3A_10] : memref<327680xi32, #tpu.memory_space<hbm>> -> memref<128xi32, #tpu.memory_space<hbm>>
    %dma_start3A_11 = tpu.memref_slice %arg3[%add3A_10] : memref<327680xi32, #tpu.memory_space<hbm>> -> memref<128xi32, #tpu.memory_space<hbm>>
    tpu.enqueue_dma source(%dma_start3A_11 : memref<128xi32, #tpu.memory_space<hbm>>) target(%arg7 : memref<128xi32, #tpu.memory_space<vmem>>) target_semaphore(%arg18 : memref<!tpu.dma_semaphore, #tpu.memory_space<semaphore_mem>>)
    %dma_start3A_12 = tpu.memref_slice %arg4[%add3A_10] : memref<327680xi32, #tpu.memory_space<hbm>> -> memref<128xi32, #tpu.memory_space<hbm>>
    %dma_start3A_13 = tpu.memref_slice %arg4[%add3A_10] : memref<327680xi32, #tpu.memory_space<hbm>> -> memref<128xi32, #tpu.memory_space<hbm>>
    tpu.enqueue_dma source(%dma_start3A_13 : memref<128xi32, #tpu.memory_space<hbm>>) target(%arg11 : memref<128xi32, #tpu.memory_space<vmem>>) target_semaphore(%arg18 : memref<!tpu.dma_semaphore, #tpu.memory_space<semaphore_mem>>)
    %mul3A_14 = arith.constant 10240 : i32
    %mul3A_15 = arith.muli %add3A, %mul3A_14 : i32
    %add3A_16 = arith.constant 128 : i32
    %add3A_17 = arith.addi %mul3A_15, %add3A_16 : i32
    %dma_start3A_18 = tpu.memref_slice %arg3[%add3A_17] : memref<327680xi32, #tpu.memory_space<hbm>> -> memref<128xi32, #tpu.memory_space<hbm>>
    %dma_start3A_19 = tpu.memref_slice %arg3[%add3A_17] : memref<327680xi32, #tpu.memory_space<hbm>> -> memref<128xi32, #tpu.memory_space<hbm>>
    tpu.enqueue_dma source(%dma_start3A_19 : memref<128xi32, #tpu.memory_space<hbm>>) target(%arg8 : memref<128xi32, #tpu.memory_space<vmem>>) target_semaphore(%arg18 : memref<!tpu.dma_semaphore, #tpu.memory_space<semaphore_mem>>)
    %dma_start3A_20 = tpu.memref_slice %arg4[%add3A_17] : memref<327680xi32, #tpu.memory_space<hbm>> -> memref<128xi32, #tpu.memory_space<hbm>>
    %dma_start3A_21 = tpu.memref_slice %arg4[%add3A_17] : memref<327680xi32, #tpu.memory_space<hbm>> -> memref<128xi32, #tpu.memory_space<hbm>>
    tpu.enqueue_dma source(%dma_start3A_21 : memref<128xi32, #tpu.memory_space<hbm>>) target(%arg12 : memref<128xi32, #tpu.memory_space<vmem>>) target_semaphore(%arg18 : memref<!tpu.dma_semaphore, #tpu.memory_space<semaphore_mem>>)
    %scan3A = arith.constant 0 : i32
    %scan3A_22 = arith.constant 0 : i32
    %scan3A_23 = arith.constant 20 : i32
    %scan3A_24 = arith.addi %scan3A_22, %scan3A_23 : i32
    %scan3A_25 = arith.constant 1 : i32
    scf.for %scan3A_43 = %scan3A_22 to %scan3A_24 step %scan3A_25  : i32 {
      %mul3A_44 = arith.constant 4 : i32
      %mul3A_45 = arith.muli %mul3A_44, %scan3A_43 : i32
      %add3A_46 = arith.constant 0 : i32
      %add3A_47 = arith.addi %mul3A_45, %add3A_46 : i32
      %mul3A_48 = arith.constant 10240 : i32
      %mul3A_49 = arith.muli %add3A, %mul3A_48 : i32
      %mul3A_50 = arith.constant 128 : i32
      %mul3A_51 = arith.muli %add3A_47, %mul3A_50 : i32
      %add3A_52 = arith.addi %mul3A_49, %mul3A_51 : i32
      %dma_wait3A_53 = tpu.memref_slice %arg3[%add3A_52] : memref<327680xi32, #tpu.memory_space<hbm>> -> memref<128xi32, #tpu.memory_space<hbm>>
      %dma_wait3A_54 = tpu.memref_slice %arg3[%add3A_52] : memref<327680xi32, #tpu.memory_space<hbm>> -> memref<128xi32, #tpu.memory_space<hbm>>
      tpu.wait_dma2 semaphore(%arg18 : memref<!tpu.dma_semaphore, #tpu.memory_space<semaphore_mem>>) src(%dma_wait3A_54 : memref<128xi32, #tpu.memory_space<hbm>>) dst(%arg7 : memref<128xi32, #tpu.memory_space<vmem>>)
      %dma_wait3A_55 = tpu.memref_slice %arg4[%add3A_52] : memref<327680xi32, #tpu.memory_space<hbm>> -> memref<128xi32, #tpu.memory_space<hbm>>
      %dma_wait3A_56 = tpu.memref_slice %arg4[%add3A_52] : memref<327680xi32, #tpu.memory_space<hbm>> -> memref<128xi32, #tpu.memory_space<hbm>>
      tpu.wait_dma2 semaphore(%arg18 : memref<!tpu.dma_semaphore, #tpu.memory_space<semaphore_mem>>) src(%dma_wait3A_56 : memref<128xi32, #tpu.memory_space<hbm>>) dst(%arg11 : memref<128xi32, #tpu.memory_space<vmem>>)
      %gt3A = arith.constant 1 : i32
      %gt3A_57 = arith.cmpi sgt, %add3A_47, %gt3A : i32
      %convert_element_type3A_58 = arith.extui %gt3A_57 : i1 to i32
      %cond3A_59 = arith.constant 0 : i32
      %cond3A_60 = arith.cmpi ne, %convert_element_type3A_58, %cond3A_59 : i32
      scf.if %cond3A_60 {
        %dma_wait3A_174 = arith.constant 0 : i32
        %dma_wait3A_175 = arith.constant 0 : i32
        %dma_wait3A_176 = tpu.memref_slice %arg17[%dma_wait3A_174, %dma_wait3A_175] : memref<10240x128xf32, #tpu.memory_space<vmem_shared>> -> memref<10240x128xf32, #tpu.memory_space<vmem_shared>>
        tpu.wait_indirect_dma semaphore(%arg20 : memref<!tpu.dma_semaphore, #tpu.memory_space<semaphore_mem>>) src(%arg15 : memref<128x128xf32, #tpu.memory_space<vmem>>) dst(%dma_wait3A_176 : memref<10240x128xf32, #tpu.memory_space<vmem_shared>>)
      } else {
      }
      %dma_start3A_61 = arith.constant 0 : i32
      %dma_start3A_62 = arith.constant 0 : i32
      %dma_start3A_63 = tpu.memref_slice %arg2[%dma_start3A_61, %dma_start3A_62] : memref<10240x128xf32, #tpu.memory_space<hbm>> -> memref<10240x128xf32, #tpu.memory_space<hbm>>
      tpu.enqueue_indirect_dma source(%dma_start3A_63 : memref<10240x128xf32, #tpu.memory_space<hbm>>) target(%arg15 : memref<128x128xf32, #tpu.memory_space<vmem>>) offsets(%arg7 : memref<128xi32, #tpu.memory_space<vmem>>) semaphore(%arg19 : memref<!tpu.dma_semaphore, #tpu.memory_space<semaphore_mem>>)
      %gt3A_64 = arith.constant 0 : i32
      %gt3A_65 = arith.cmpi sgt, %add3A_47, %gt3A_64 : i32
      %convert_element_type3A_66 = arith.extui %gt3A_65 : i1 to i32
      %cond3A_67 = arith.constant 0 : i32
      %cond3A_68 = arith.cmpi ne, %convert_element_type3A_66, %cond3A_67 : i32
      scf.if %cond3A_68 {
        %dma_wait3A_174 = arith.constant 0 : i32
        %dma_wait3A_175 = arith.constant 0 : i32
        %dma_wait3A_176 = tpu.memref_slice %arg2[%dma_wait3A_174, %dma_wait3A_175] : memref<10240x128xf32, #tpu.memory_space<hbm>> -> memref<10240x128xf32, #tpu.memory_space<hbm>>
        tpu.wait_indirect_dma semaphore(%arg19 : memref<!tpu.dma_semaphore, #tpu.memory_space<semaphore_mem>>) src(%dma_wait3A_176 : memref<10240x128xf32, #tpu.memory_space<hbm>>) dst(%arg16 : memref<128x128xf32, #tpu.memory_space<vmem>>)
        %dma_start3A_177 = arith.constant 0 : i32
        %dma_start3A_178 = arith.constant 0 : i32
        %dma_start3A_179 = tpu.memref_slice %arg17[%dma_start3A_177, %dma_start3A_178] : memref<10240x128xf32, #tpu.memory_space<vmem_shared>> -> memref<10240x128xf32, #tpu.memory_space<vmem_shared>>
        tpu.enqueue_indirect_dma source(%arg16 : memref<128x128xf32, #tpu.memory_space<vmem>>) target(%dma_start3A_179 : memref<10240x128xf32, #tpu.memory_space<vmem_shared>>) offsets(%arg14 : memref<128xi32, #tpu.memory_space<vmem>>) semaphore(%arg20 : memref<!tpu.dma_semaphore, #tpu.memory_space<semaphore_mem>>) {add = true}
      } else {
      }
      %add3A_69 = arith.constant 2 : i32
      %add3A_70 = arith.addi %add3A_47, %add3A_69 : i32
      %lt3A = arith.constant 80 : i32
      %lt3A_71 = arith.cmpi slt, %add3A_70, %lt3A : i32
      %convert_element_type3A_72 = arith.extui %lt3A_71 : i1 to i32
      %cond3A_73 = arith.constant 0 : i32
      %cond3A_74 = arith.cmpi ne, %convert_element_type3A_72, %cond3A_73 : i32
      scf.if %cond3A_74 {
        %add3A_174 = arith.constant 2 : i32
        %add3A_175 = arith.addi %add3A_47, %add3A_174 : i32
        %mul3A_176 = arith.constant 10240 : i32
        %mul3A_177 = arith.muli %add3A, %mul3A_176 : i32
        %mul3A_178 = arith.constant 128 : i32
        %mul3A_179 = arith.muli %add3A_175, %mul3A_178 : i32
        %add3A_180 = arith.addi %mul3A_177, %mul3A_179 : i32
        %dma_start3A_181 = tpu.memref_slice %arg3[%add3A_180] : memref<327680xi32, #tpu.memory_space<hbm>> -> memref<128xi32, #tpu.memory_space<hbm>>
        %dma_start3A_182 = tpu.memref_slice %arg3[%add3A_180] : memref<327680xi32, #tpu.memory_space<hbm>> -> memref<128xi32, #tpu.memory_space<hbm>>
        tpu.enqueue_dma source(%dma_start3A_182 : memref<128xi32, #tpu.memory_space<hbm>>) target(%arg9 : memref<128xi32, #tpu.memory_space<vmem>>) target_semaphore(%arg18 : memref<!tpu.dma_semaphore, #tpu.memory_space<semaphore_mem>>)
        %dma_start3A_183 = tpu.memref_slice %arg4[%add3A_180] : memref<327680xi32, #tpu.memory_space<hbm>> -> memref<128xi32, #tpu.memory_space<hbm>>
        %dma_start3A_184 = tpu.memref_slice %arg4[%add3A_180] : memref<327680xi32, #tpu.memory_space<hbm>> -> memref<128xi32, #tpu.memory_space<hbm>>
        tpu.enqueue_dma source(%dma_start3A_184 : memref<128xi32, #tpu.memory_space<hbm>>) target(%arg13 : memref<128xi32, #tpu.memory_space<vmem>>) target_semaphore(%arg18 : memref<!tpu.dma_semaphore, #tpu.memory_space<semaphore_mem>>)
      } else {
      }
      %mul3A_75 = arith.constant 4 : i32
      %mul3A_76 = arith.muli %mul3A_75, %scan3A_43 : i32
      %add3A_77 = arith.constant 1 : i32
      %add3A_78 = arith.addi %mul3A_76, %add3A_77 : i32
      %mul3A_79 = arith.constant 10240 : i32
      %mul3A_80 = arith.muli %add3A, %mul3A_79 : i32
      %mul3A_81 = arith.constant 128 : i32
      %mul3A_82 = arith.muli %add3A_78, %mul3A_81 : i32
      %add3A_83 = arith.addi %mul3A_80, %mul3A_82 : i32
      %dma_wait3A_84 = tpu.memref_slice %arg3[%add3A_83] : memref<327680xi32, #tpu.memory_space<hbm>> -> memref<128xi32, #tpu.memory_space<hbm>>
      %dma_wait3A_85 = tpu.memref_slice %arg3[%add3A_83] : memref<327680xi32, #tpu.memory_space<hbm>> -> memref<128xi32, #tpu.memory_space<hbm>>
      tpu.wait_dma2 semaphore(%arg18 : memref<!tpu.dma_semaphore, #tpu.memory_space<semaphore_mem>>) src(%dma_wait3A_85 : memref<128xi32, #tpu.memory_space<hbm>>) dst(%arg8 : memref<128xi32, #tpu.memory_space<vmem>>)
      %dma_wait3A_86 = tpu.memref_slice %arg4[%add3A_83] : memref<327680xi32, #tpu.memory_space<hbm>> -> memref<128xi32, #tpu.memory_space<hbm>>
      %dma_wait3A_87 = tpu.memref_slice %arg4[%add3A_83] : memref<327680xi32, #tpu.memory_space<hbm>> -> memref<128xi32, #tpu.memory_space<hbm>>
      tpu.wait_dma2 semaphore(%arg18 : memref<!tpu.dma_semaphore, #tpu.memory_space<semaphore_mem>>) src(%dma_wait3A_87 : memref<128xi32, #tpu.memory_space<hbm>>) dst(%arg12 : memref<128xi32, #tpu.memory_space<vmem>>)
      %gt3A_88 = arith.constant 1 : i32
      %gt3A_89 = arith.cmpi sgt, %add3A_78, %gt3A_88 : i32
      %convert_element_type3A_90 = arith.extui %gt3A_89 : i1 to i32
      %cond3A_91 = arith.constant 0 : i32
      %cond3A_92 = arith.cmpi ne, %convert_element_type3A_90, %cond3A_91 : i32
      scf.if %cond3A_92 {
        %dma_wait3A_174 = arith.constant 0 : i32
        %dma_wait3A_175 = arith.constant 0 : i32
        %dma_wait3A_176 = tpu.memref_slice %arg17[%dma_wait3A_174, %dma_wait3A_175] : memref<10240x128xf32, #tpu.memory_space<vmem_shared>> -> memref<10240x128xf32, #tpu.memory_space<vmem_shared>>
        tpu.wait_indirect_dma semaphore(%arg20 : memref<!tpu.dma_semaphore, #tpu.memory_space<semaphore_mem>>) src(%arg16 : memref<128x128xf32, #tpu.memory_space<vmem>>) dst(%dma_wait3A_176 : memref<10240x128xf32, #tpu.memory_space<vmem_shared>>)
      } else {
      }
      %dma_start3A_93 = arith.constant 0 : i32
      %dma_start3A_94 = arith.constant 0 : i32
      %dma_start3A_95 = tpu.memref_slice %arg2[%dma_start3A_93, %dma_start3A_94] : memref<10240x128xf32, #tpu.memory_space<hbm>> -> memref<10240x128xf32, #tpu.memory_space<hbm>>
      tpu.enqueue_indirect_dma source(%dma_start3A_95 : memref<10240x128xf32, #tpu.memory_space<hbm>>) target(%arg16 : memref<128x128xf32, #tpu.memory_space<vmem>>) offsets(%arg8 : memref<128xi32, #tpu.memory_space<vmem>>) semaphore(%arg19 : memref<!tpu.dma_semaphore, #tpu.memory_space<semaphore_mem>>)
      %gt3A_96 = arith.constant 0 : i32
      %gt3A_97 = arith.cmpi sgt, %add3A_78, %gt3A_96 : i32
      %convert_element_type3A_98 = arith.extui %gt3A_97 : i1 to i32
      %cond3A_99 = arith.constant 0 : i32
      %cond3A_100 = arith.cmpi ne, %convert_element_type3A_98, %cond3A_99 : i32
      scf.if %cond3A_100 {
        %dma_wait3A_174 = arith.constant 0 : i32
        %dma_wait3A_175 = arith.constant 0 : i32
        %dma_wait3A_176 = tpu.memref_slice %arg2[%dma_wait3A_174, %dma_wait3A_175] : memref<10240x128xf32, #tpu.memory_space<hbm>> -> memref<10240x128xf32, #tpu.memory_space<hbm>>
        tpu.wait_indirect_dma semaphore(%arg19 : memref<!tpu.dma_semaphore, #tpu.memory_space<semaphore_mem>>) src(%dma_wait3A_176 : memref<10240x128xf32, #tpu.memory_space<hbm>>) dst(%arg15 : memref<128x128xf32, #tpu.memory_space<vmem>>)
        %dma_start3A_177 = arith.constant 0 : i32
        %dma_start3A_178 = arith.constant 0 : i32
        %dma_start3A_179 = tpu.memref_slice %arg17[%dma_start3A_177, %dma_start3A_178] : memref<10240x128xf32, #tpu.memory_space<vmem_shared>> -> memref<10240x128xf32, #tpu.memory_space<vmem_shared>>
        tpu.enqueue_indirect_dma source(%arg15 : memref<128x128xf32, #tpu.memory_space<vmem>>) target(%dma_start3A_179 : memref<10240x128xf32, #tpu.memory_space<vmem_shared>>) offsets(%arg11 : memref<128xi32, #tpu.memory_space<vmem>>) semaphore(%arg20 : memref<!tpu.dma_semaphore, #tpu.memory_space<semaphore_mem>>) {add = true}
      } else {
      }
      %add3A_101 = arith.constant 2 : i32
      %add3A_102 = arith.addi %add3A_78, %add3A_101 : i32
      %lt3A_103 = arith.constant 80 : i32
      %lt3A_104 = arith.cmpi slt, %add3A_102, %lt3A_103 : i32
      %convert_element_type3A_105 = arith.extui %lt3A_104 : i1 to i32
      %cond3A_106 = arith.constant 0 : i32
      %cond3A_107 = arith.cmpi ne, %convert_element_type3A_105, %cond3A_106 : i32
      scf.if %cond3A_107 {
        %add3A_174 = arith.constant 2 : i32
        %add3A_175 = arith.addi %add3A_78, %add3A_174 : i32
        %mul3A_176 = arith.constant 10240 : i32
        %mul3A_177 = arith.muli %add3A, %mul3A_176 : i32
        %mul3A_178 = arith.constant 128 : i32
        %mul3A_179 = arith.muli %add3A_175, %mul3A_178 : i32
        %add3A_180 = arith.addi %mul3A_177, %mul3A_179 : i32
        %dma_start3A_181 = tpu.memref_slice %arg3[%add3A_180] : memref<327680xi32, #tpu.memory_space<hbm>> -> memref<128xi32, #tpu.memory_space<hbm>>
        %dma_start3A_182 = tpu.memref_slice %arg3[%add3A_180] : memref<327680xi32, #tpu.memory_space<hbm>> -> memref<128xi32, #tpu.memory_space<hbm>>
        tpu.enqueue_dma source(%dma_start3A_182 : memref<128xi32, #tpu.memory_space<hbm>>) target(%arg10 : memref<128xi32, #tpu.memory_space<vmem>>) target_semaphore(%arg18 : memref<!tpu.dma_semaphore, #tpu.memory_space<semaphore_mem>>)
        %dma_start3A_183 = tpu.memref_slice %arg4[%add3A_180] : memref<327680xi32, #tpu.memory_space<hbm>> -> memref<128xi32, #tpu.memory_space<hbm>>
        %dma_start3A_184 = tpu.memref_slice %arg4[%add3A_180] : memref<327680xi32, #tpu.memory_space<hbm>> -> memref<128xi32, #tpu.memory_space<hbm>>
        tpu.enqueue_dma source(%dma_start3A_184 : memref<128xi32, #tpu.memory_space<hbm>>) target(%arg14 : memref<128xi32, #tpu.memory_space<vmem>>) target_semaphore(%arg18 : memref<!tpu.dma_semaphore, #tpu.memory_space<semaphore_mem>>)
      } else {
      }
      %mul3A_108 = arith.constant 4 : i32
      %mul3A_109 = arith.muli %mul3A_108, %scan3A_43 : i32
      %add3A_110 = arith.constant 2 : i32
      %add3A_111 = arith.addi %mul3A_109, %add3A_110 : i32
      %mul3A_112 = arith.constant 10240 : i32
      %mul3A_113 = arith.muli %add3A, %mul3A_112 : i32
      %mul3A_114 = arith.constant 128 : i32
      %mul3A_115 = arith.muli %add3A_111, %mul3A_114 : i32
      %add3A_116 = arith.addi %mul3A_113, %mul3A_115 : i32
      %dma_wait3A_117 = tpu.memref_slice %arg3[%add3A_116] : memref<327680xi32, #tpu.memory_space<hbm>> -> memref<128xi32, #tpu.memory_space<hbm>>
      %dma_wait3A_118 = tpu.memref_slice %arg3[%add3A_116] : memref<327680xi32, #tpu.memory_space<hbm>> -> memref<128xi32, #tpu.memory_space<hbm>>
      tpu.wait_dma2 semaphore(%arg18 : memref<!tpu.dma_semaphore, #tpu.memory_space<semaphore_mem>>) src(%dma_wait3A_118 : memref<128xi32, #tpu.memory_space<hbm>>) dst(%arg9 : memref<128xi32, #tpu.memory_space<vmem>>)
      %dma_wait3A_119 = tpu.memref_slice %arg4[%add3A_116] : memref<327680xi32, #tpu.memory_space<hbm>> -> memref<128xi32, #tpu.memory_space<hbm>>
      %dma_wait3A_120 = tpu.memref_slice %arg4[%add3A_116] : memref<327680xi32, #tpu.memory_space<hbm>> -> memref<128xi32, #tpu.memory_space<hbm>>
      tpu.wait_dma2 semaphore(%arg18 : memref<!tpu.dma_semaphore, #tpu.memory_space<semaphore_mem>>) src(%dma_wait3A_120 : memref<128xi32, #tpu.memory_space<hbm>>) dst(%arg13 : memref<128xi32, #tpu.memory_space<vmem>>)
      %gt3A_121 = arith.constant 1 : i32
      %gt3A_122 = arith.cmpi sgt, %add3A_111, %gt3A_121 : i32
      %convert_element_type3A_123 = arith.extui %gt3A_122 : i1 to i32
      %cond3A_124 = arith.constant 0 : i32
      %cond3A_125 = arith.cmpi ne, %convert_element_type3A_123, %cond3A_124 : i32
      scf.if %cond3A_125 {
        %dma_wait3A_174 = arith.constant 0 : i32
        %dma_wait3A_175 = arith.constant 0 : i32
        %dma_wait3A_176 = tpu.memref_slice %arg17[%dma_wait3A_174, %dma_wait3A_175] : memref<10240x128xf32, #tpu.memory_space<vmem_shared>> -> memref<10240x128xf32, #tpu.memory_space<vmem_shared>>
        tpu.wait_indirect_dma semaphore(%arg20 : memref<!tpu.dma_semaphore, #tpu.memory_space<semaphore_mem>>) src(%arg15 : memref<128x128xf32, #tpu.memory_space<vmem>>) dst(%dma_wait3A_176 : memref<10240x128xf32, #tpu.memory_space<vmem_shared>>)
      } else {
      }
      %dma_start3A_126 = arith.constant 0 : i32
      %dma_start3A_127 = arith.constant 0 : i32
      %dma_start3A_128 = tpu.memref_slice %arg2[%dma_start3A_126, %dma_start3A_127] : memref<10240x128xf32, #tpu.memory_space<hbm>> -> memref<10240x128xf32, #tpu.memory_space<hbm>>
      tpu.enqueue_indirect_dma source(%dma_start3A_128 : memref<10240x128xf32, #tpu.memory_space<hbm>>) target(%arg15 : memref<128x128xf32, #tpu.memory_space<vmem>>) offsets(%arg9 : memref<128xi32, #tpu.memory_space<vmem>>) semaphore(%arg19 : memref<!tpu.dma_semaphore, #tpu.memory_space<semaphore_mem>>)
      %gt3A_129 = arith.constant 0 : i32
      %gt3A_130 = arith.cmpi sgt, %add3A_111, %gt3A_129 : i32
      %convert_element_type3A_131 = arith.extui %gt3A_130 : i1 to i32
      %cond3A_132 = arith.constant 0 : i32
      %cond3A_133 = arith.cmpi ne, %convert_element_type3A_131, %cond3A_132 : i32
      scf.if %cond3A_133 {
        %dma_wait3A_174 = arith.constant 0 : i32
        %dma_wait3A_175 = arith.constant 0 : i32
        %dma_wait3A_176 = tpu.memref_slice %arg2[%dma_wait3A_174, %dma_wait3A_175] : memref<10240x128xf32, #tpu.memory_space<hbm>> -> memref<10240x128xf32, #tpu.memory_space<hbm>>
        tpu.wait_indirect_dma semaphore(%arg19 : memref<!tpu.dma_semaphore, #tpu.memory_space<semaphore_mem>>) src(%dma_wait3A_176 : memref<10240x128xf32, #tpu.memory_space<hbm>>) dst(%arg16 : memref<128x128xf32, #tpu.memory_space<vmem>>)
        %dma_start3A_177 = arith.constant 0 : i32
        %dma_start3A_178 = arith.constant 0 : i32
        %dma_start3A_179 = tpu.memref_slice %arg17[%dma_start3A_177, %dma_start3A_178] : memref<10240x128xf32, #tpu.memory_space<vmem_shared>> -> memref<10240x128xf32, #tpu.memory_space<vmem_shared>>
        tpu.enqueue_indirect_dma source(%arg16 : memref<128x128xf32, #tpu.memory_space<vmem>>) target(%dma_start3A_179 : memref<10240x128xf32, #tpu.memory_space<vmem_shared>>) offsets(%arg12 : memref<128xi32, #tpu.memory_space<vmem>>) semaphore(%arg20 : memref<!tpu.dma_semaphore, #tpu.memory_space<semaphore_mem>>) {add = true}
      } else {
      }
      %add3A_134 = arith.constant 2 : i32
      %add3A_135 = arith.addi %add3A_111, %add3A_134 : i32
      %lt3A_136 = arith.constant 80 : i32
      %lt3A_137 = arith.cmpi slt, %add3A_135, %lt3A_136 : i32
      %convert_element_type3A_138 = arith.extui %lt3A_137 : i1 to i32
      %cond3A_139 = arith.constant 0 : i32
      %cond3A_140 = arith.cmpi ne, %convert_element_type3A_138, %cond3A_139 : i32
      scf.if %cond3A_140 {
        %add3A_174 = arith.constant 2 : i32
        %add3A_175 = arith.addi %add3A_111, %add3A_174 : i32
        %mul3A_176 = arith.constant 10240 : i32
        %mul3A_177 = arith.muli %add3A, %mul3A_176 : i32
        %mul3A_178 = arith.constant 128 : i32
        %mul3A_179 = arith.muli %add3A_175, %mul3A_178 : i32
        %add3A_180 = arith.addi %mul3A_177, %mul3A_179 : i32
        %dma_start3A_181 = tpu.memref_slice %arg3[%add3A_180] : memref<327680xi32, #tpu.memory_space<hbm>> -> memref<128xi32, #tpu.memory_space<hbm>>
        %dma_start3A_182 = tpu.memref_slice %arg3[%add3A_180] : memref<327680xi32, #tpu.memory_space<hbm>> -> memref<128xi32, #tpu.memory_space<hbm>>
        tpu.enqueue_dma source(%dma_start3A_182 : memref<128xi32, #tpu.memory_space<hbm>>) target(%arg7 : memref<128xi32, #tpu.memory_space<vmem>>) target_semaphore(%arg18 : memref<!tpu.dma_semaphore, #tpu.memory_space<semaphore_mem>>)
        %dma_start3A_183 = tpu.memref_slice %arg4[%add3A_180] : memref<327680xi32, #tpu.memory_space<hbm>> -> memref<128xi32, #tpu.memory_space<hbm>>
        %dma_start3A_184 = tpu.memref_slice %arg4[%add3A_180] : memref<327680xi32, #tpu.memory_space<hbm>> -> memref<128xi32, #tpu.memory_space<hbm>>
        tpu.enqueue_dma source(%dma_start3A_184 : memref<128xi32, #tpu.memory_space<hbm>>) target(%arg11 : memref<128xi32, #tpu.memory_space<vmem>>) target_semaphore(%arg18 : memref<!tpu.dma_semaphore, #tpu.memory_space<semaphore_mem>>)
      } else {
      }
      %mul3A_141 = arith.constant 4 : i32
      %mul3A_142 = arith.muli %mul3A_141, %scan3A_43 : i32
      %add3A_143 = arith.constant 3 : i32
      %add3A_144 = arith.addi %mul3A_142, %add3A_143 : i32
      %mul3A_145 = arith.constant 10240 : i32
      %mul3A_146 = arith.muli %add3A, %mul3A_145 : i32
      %mul3A_147 = arith.constant 128 : i32
      %mul3A_148 = arith.muli %add3A_144, %mul3A_147 : i32
      %add3A_149 = arith.addi %mul3A_146, %mul3A_148 : i32
      %dma_wait3A_150 = tpu.memref_slice %arg3[%add3A_149] : memref<327680xi32, #tpu.memory_space<hbm>> -> memref<128xi32, #tpu.memory_space<hbm>>
      %dma_wait3A_151 = tpu.memref_slice %arg3[%add3A_149] : memref<327680xi32, #tpu.memory_space<hbm>> -> memref<128xi32, #tpu.memory_space<hbm>>
      tpu.wait_dma2 semaphore(%arg18 : memref<!tpu.dma_semaphore, #tpu.memory_space<semaphore_mem>>) src(%dma_wait3A_151 : memref<128xi32, #tpu.memory_space<hbm>>) dst(%arg10 : memref<128xi32, #tpu.memory_space<vmem>>)
      %dma_wait3A_152 = tpu.memref_slice %arg4[%add3A_149] : memref<327680xi32, #tpu.memory_space<hbm>> -> memref<128xi32, #tpu.memory_space<hbm>>
      %dma_wait3A_153 = tpu.memref_slice %arg4[%add3A_149] : memref<327680xi32, #tpu.memory_space<hbm>> -> memref<128xi32, #tpu.memory_space<hbm>>
      tpu.wait_dma2 semaphore(%arg18 : memref<!tpu.dma_semaphore, #tpu.memory_space<semaphore_mem>>) src(%dma_wait3A_153 : memref<128xi32, #tpu.memory_space<hbm>>) dst(%arg14 : memref<128xi32, #tpu.memory_space<vmem>>)
      %gt3A_154 = arith.constant 1 : i32
      %gt3A_155 = arith.cmpi sgt, %add3A_144, %gt3A_154 : i32
      %convert_element_type3A_156 = arith.extui %gt3A_155 : i1 to i32
      %cond3A_157 = arith.constant 0 : i32
      %cond3A_158 = arith.cmpi ne, %convert_element_type3A_156, %cond3A_157 : i32
      scf.if %cond3A_158 {
        %dma_wait3A_174 = arith.constant 0 : i32
        %dma_wait3A_175 = arith.constant 0 : i32
        %dma_wait3A_176 = tpu.memref_slice %arg17[%dma_wait3A_174, %dma_wait3A_175] : memref<10240x128xf32, #tpu.memory_space<vmem_shared>> -> memref<10240x128xf32, #tpu.memory_space<vmem_shared>>
        tpu.wait_indirect_dma semaphore(%arg20 : memref<!tpu.dma_semaphore, #tpu.memory_space<semaphore_mem>>) src(%arg16 : memref<128x128xf32, #tpu.memory_space<vmem>>) dst(%dma_wait3A_176 : memref<10240x128xf32, #tpu.memory_space<vmem_shared>>)
      } else {
      }
      %dma_start3A_159 = arith.constant 0 : i32
      %dma_start3A_160 = arith.constant 0 : i32
      %dma_start3A_161 = tpu.memref_slice %arg2[%dma_start3A_159, %dma_start3A_160] : memref<10240x128xf32, #tpu.memory_space<hbm>> -> memref<10240x128xf32, #tpu.memory_space<hbm>>
      tpu.enqueue_indirect_dma source(%dma_start3A_161 : memref<10240x128xf32, #tpu.memory_space<hbm>>) target(%arg16 : memref<128x128xf32, #tpu.memory_space<vmem>>) offsets(%arg10 : memref<128xi32, #tpu.memory_space<vmem>>) semaphore(%arg19 : memref<!tpu.dma_semaphore, #tpu.memory_space<semaphore_mem>>)
      %gt3A_162 = arith.constant 0 : i32
      %gt3A_163 = arith.cmpi sgt, %add3A_144, %gt3A_162 : i32
      %convert_element_type3A_164 = arith.extui %gt3A_163 : i1 to i32
      %cond3A_165 = arith.constant 0 : i32
      %cond3A_166 = arith.cmpi ne, %convert_element_type3A_164, %cond3A_165 : i32
      scf.if %cond3A_166 {
        %dma_wait3A_174 = arith.constant 0 : i32
        %dma_wait3A_175 = arith.constant 0 : i32
        %dma_wait3A_176 = tpu.memref_slice %arg2[%dma_wait3A_174, %dma_wait3A_175] : memref<10240x128xf32, #tpu.memory_space<hbm>> -> memref<10240x128xf32, #tpu.memory_space<hbm>>
        tpu.wait_indirect_dma semaphore(%arg19 : memref<!tpu.dma_semaphore, #tpu.memory_space<semaphore_mem>>) src(%dma_wait3A_176 : memref<10240x128xf32, #tpu.memory_space<hbm>>) dst(%arg15 : memref<128x128xf32, #tpu.memory_space<vmem>>)
        %dma_start3A_177 = arith.constant 0 : i32
        %dma_start3A_178 = arith.constant 0 : i32
        %dma_start3A_179 = tpu.memref_slice %arg17[%dma_start3A_177, %dma_start3A_178] : memref<10240x128xf32, #tpu.memory_space<vmem_shared>> -> memref<10240x128xf32, #tpu.memory_space<vmem_shared>>
        tpu.enqueue_indirect_dma source(%arg15 : memref<128x128xf32, #tpu.memory_space<vmem>>) target(%dma_start3A_179 : memref<10240x128xf32, #tpu.memory_space<vmem_shared>>) offsets(%arg13 : memref<128xi32, #tpu.memory_space<vmem>>) semaphore(%arg20 : memref<!tpu.dma_semaphore, #tpu.memory_space<semaphore_mem>>) {add = true}
      } else {
      }
      %add3A_167 = arith.constant 2 : i32
      %add3A_168 = arith.addi %add3A_144, %add3A_167 : i32
      %lt3A_169 = arith.constant 80 : i32
      %lt3A_170 = arith.cmpi slt, %add3A_168, %lt3A_169 : i32
      %convert_element_type3A_171 = arith.extui %lt3A_170 : i1 to i32
      %cond3A_172 = arith.constant 0 : i32
      %cond3A_173 = arith.cmpi ne, %convert_element_type3A_171, %cond3A_172 : i32
      scf.if %cond3A_173 {
        %add3A_174 = arith.constant 2 : i32
        %add3A_175 = arith.addi %add3A_144, %add3A_174 : i32
        %mul3A_176 = arith.constant 10240 : i32
        %mul3A_177 = arith.muli %add3A, %mul3A_176 : i32
        %mul3A_178 = arith.constant 128 : i32
        %mul3A_179 = arith.muli %add3A_175, %mul3A_178 : i32
        %add3A_180 = arith.addi %mul3A_177, %mul3A_179 : i32
        %dma_start3A_181 = tpu.memref_slice %arg3[%add3A_180] : memref<327680xi32, #tpu.memory_space<hbm>> -> memref<128xi32, #tpu.memory_space<hbm>>
        %dma_start3A_182 = tpu.memref_slice %arg3[%add3A_180] : memref<327680xi32, #tpu.memory_space<hbm>> -> memref<128xi32, #tpu.memory_space<hbm>>
        tpu.enqueue_dma source(%dma_start3A_182 : memref<128xi32, #tpu.memory_space<hbm>>) target(%arg8 : memref<128xi32, #tpu.memory_space<vmem>>) target_semaphore(%arg18 : memref<!tpu.dma_semaphore, #tpu.memory_space<semaphore_mem>>)
        %dma_start3A_183 = tpu.memref_slice %arg4[%add3A_180] : memref<327680xi32, #tpu.memory_space<hbm>> -> memref<128xi32, #tpu.memory_space<hbm>>
        %dma_start3A_184 = tpu.memref_slice %arg4[%add3A_180] : memref<327680xi32, #tpu.memory_space<hbm>> -> memref<128xi32, #tpu.memory_space<hbm>>
        tpu.enqueue_dma source(%dma_start3A_184 : memref<128xi32, #tpu.memory_space<hbm>>) target(%arg12 : memref<128xi32, #tpu.memory_space<vmem>>) target_semaphore(%arg18 : memref<!tpu.dma_semaphore, #tpu.memory_space<semaphore_mem>>)
      } else {
      }
    }
    %scan3A_26 = arith.constant 20 : i32
    %dma_wait3A = arith.constant 0 : i32
    %dma_wait3A_27 = arith.constant 0 : i32
    %dma_wait3A_28 = tpu.memref_slice %arg2[%dma_wait3A, %dma_wait3A_27] : memref<10240x128xf32, #tpu.memory_space<hbm>> -> memref<10240x128xf32, #tpu.memory_space<hbm>>
    tpu.wait_indirect_dma semaphore(%arg19 : memref<!tpu.dma_semaphore, #tpu.memory_space<semaphore_mem>>) src(%dma_wait3A_28 : memref<10240x128xf32, #tpu.memory_space<hbm>>) dst(%arg16 : memref<128x128xf32, #tpu.memory_space<vmem>>)
    %dma_start3A_29 = arith.constant 0 : i32
    %dma_start3A_30 = arith.constant 0 : i32
    %dma_start3A_31 = tpu.memref_slice %arg17[%dma_start3A_29, %dma_start3A_30] : memref<10240x128xf32, #tpu.memory_space<vmem_shared>> -> memref<10240x128xf32, #tpu.memory_space<vmem_shared>>
    tpu.enqueue_indirect_dma source(%arg16 : memref<128x128xf32, #tpu.memory_space<vmem>>) target(%dma_start3A_31 : memref<10240x128xf32, #tpu.memory_space<vmem_shared>>) offsets(%arg14 : memref<128xi32, #tpu.memory_space<vmem>>) semaphore(%arg20 : memref<!tpu.dma_semaphore, #tpu.memory_space<semaphore_mem>>) {add = true}
    %dma_wait3A_32 = arith.constant 0 : i32
    %dma_wait3A_33 = arith.constant 0 : i32
    %dma_wait3A_34 = tpu.memref_slice %arg17[%dma_wait3A_32, %dma_wait3A_33] : memref<10240x128xf32, #tpu.memory_space<vmem_shared>> -> memref<10240x128xf32, #tpu.memory_space<vmem_shared>>
    tpu.wait_indirect_dma semaphore(%arg20 : memref<!tpu.dma_semaphore, #tpu.memory_space<semaphore_mem>>) src(%arg15 : memref<128x128xf32, #tpu.memory_space<vmem>>) dst(%dma_wait3A_34 : memref<10240x128xf32, #tpu.memory_space<vmem_shared>>)
    %dma_wait3A_35 = arith.constant 0 : i32
    %dma_wait3A_36 = arith.constant 0 : i32
    %dma_wait3A_37 = tpu.memref_slice %arg17[%dma_wait3A_35, %dma_wait3A_36] : memref<10240x128xf32, #tpu.memory_space<vmem_shared>> -> memref<10240x128xf32, #tpu.memory_space<vmem_shared>>
    tpu.wait_indirect_dma semaphore(%arg20 : memref<!tpu.dma_semaphore, #tpu.memory_space<semaphore_mem>>) src(%arg16 : memref<128x128xf32, #tpu.memory_space<vmem>>) dst(%dma_wait3A_37 : memref<10240x128xf32, #tpu.memory_space<vmem_shared>>)
    %barrier3A_38 = arith.constant 0 : index
    tpu.barrier barrier_id(%barrier3A_38)
    %mul3A_39 = arith.constant 640 : i32
    %mul3A_40 = arith.muli %arg1, %mul3A_39 : i32
    %mul3A_41 = arith.constant 640 : i32
    %mul3A_42 = arith.muli %arg1, %mul3A_41 : i32
    "tpu.region"() ({
      %run_scoped3A = tpu.sem_alloc : memref<!tpu.dma_semaphore, #tpu.memory_space<semaphore_mem>>
      %dma_start3A_43 = arith.constant 0 : i32
      %dma_start3A_44 = tpu.memref_slice %arg6[%arg0, %mul3A_42, %dma_start3A_43] : memref<2x10240x128xf32, #tpu.memory_space<hbm>> -> memref<1x640x128xf32, #tpu.memory_space<hbm>>
      %dma_start3A_45 = tpu.memref_squeeze %dma_start3A_44 : memref<1x640x128xf32, #tpu.memory_space<hbm>> -> memref<640x128xf32, #tpu.memory_space<hbm>>
      %dma_start3A_46 = arith.constant 0 : i32
      %dma_start3A_47 = tpu.memref_slice %arg17[%mul3A_40, %dma_start3A_46] : memref<10240x128xf32, #tpu.memory_space<vmem_shared>> -> memref<640x128xf32, #tpu.memory_space<vmem_shared>>
      tpu.enqueue_dma source(%dma_start3A_47 : memref<640x128xf32, #tpu.memory_space<vmem_shared>>) target(%dma_start3A_45 : memref<640x128xf32, #tpu.memory_space<hbm>>) target_semaphore(%run_scoped3A : memref<!tpu.dma_semaphore, #tpu.memory_space<semaphore_mem>>)
      %dma_wait3A_48 = arith.constant 0 : i32
      %dma_wait3A_49 = tpu.memref_slice %arg6[%arg0, %mul3A_42, %dma_wait3A_48] : memref<2x10240x128xf32, #tpu.memory_space<hbm>> -> memref<1x640x128xf32, #tpu.memory_space<hbm>>
      %dma_wait3A_50 = tpu.memref_squeeze %dma_wait3A_49 : memref<1x640x128xf32, #tpu.memory_space<hbm>> -> memref<640x128xf32, #tpu.memory_space<hbm>>
      %dma_wait3A_51 = arith.constant 0 : i32
      %dma_wait3A_52 = tpu.memref_slice %arg17[%mul3A_40, %dma_wait3A_51] : memref<10240x128xf32, #tpu.memory_space<vmem_shared>> -> memref<640x128xf32, #tpu.memory_space<vmem_shared>>
      tpu.wait_dma2 semaphore(%run_scoped3A : memref<!tpu.dma_semaphore, #tpu.memory_space<semaphore_mem>>) src(%dma_wait3A_52 : memref<640x128xf32, #tpu.memory_space<vmem_shared>>) dst(%dma_wait3A_50 : memref<640x128xf32, #tpu.memory_space<hbm>>)
      tpu.yield
    }) : () -> ()
    return
  }
}

module attributes {stable_mosaic.version = 14 : i64} {
  func.func @body(%arg0: memref<10000x128xf32, #tpu.memory_space<vmem>>, %arg1: memref<128x128xf32, #tpu.memory_space<vmem>>, %arg2: memref<32x10240xf32, #tpu.memory_space<vmem>>, %arg3: memref<10240x128xf32, #tpu.memory_space<vmem>>, %arg4: memref<10240x1xf32, #tpu.memory_space<vmem>>) attributes {dimension_semantics = [], scalar_prefetch = 0 : i64, scratch_operands = 0 : i64, tpu.core_type = #tpu.core_type<tc>} {
    %get3A = arith.constant 0 : index
    %get3A_0 = arith.constant 0 : index
    %get3A_1 = vector.load %arg0[%get3A, %get3A_0] : memref<10000x128xf32, #tpu.memory_space<vmem>>, vector<10000x128xf32>
    %get3A_2 = arith.constant 0 : index
    %get3A_3 = arith.constant 0 : index
    %get3A_4 = vector.load %arg1[%get3A_2, %get3A_3] : memref<128x128xf32, #tpu.memory_space<vmem>>, vector<128x128xf32>
    %dot_general3A = arith.constant dense<0.000000e+00> : vector<10000x128xf32>
    %dot_general3A_5 = tpu.matmul %get3A_1, %get3A_4, %dot_general3A {dimension_numbers = #tpu.dot_dimension_numbers<[1], [0], [0], [1], [0, 0, 1, 1], [], []>, transpose_lhs_hint = false} : vector<10000x128xf32>, vector<128x128xf32>, vector<10000x128xf32> -> vector<10000x128xf32>
    %broadcast_in_dim3A = arith.constant 1.000000e+00 : f32
    %broadcast_in_dim3A_6 = vector.broadcast %broadcast_in_dim3A : f32 to vector<32x1xf32>
    %get3A_7 = arith.constant 0 : index
    %get3A_8 = arith.constant 0 : index
    %get3A_9 = vector.load %arg2[%get3A_7, %get3A_8] : memref<32x10240xf32, #tpu.memory_space<vmem>>, vector<32x10240xf32>
    %dot_general3A_10 = arith.constant dense<0.000000e+00> : vector<10240x1xf32>
    %dot_general3A_11 = tpu.matmul %get3A_9, %broadcast_in_dim3A_6, %dot_general3A_10 {dimension_numbers = #tpu.dot_dimension_numbers<[0], [0], [1], [1], [0, 1, 1, 1], [], []>, transpose_lhs_hint = false} : vector<32x10240xf32>, vector<32x1xf32>, vector<10240x1xf32> -> vector<10240x1xf32>
    %add3A = arith.constant 1.000000e+00 : f32
    %add3A_12 = vector.broadcast %add3A : f32 to vector<10240x1xf32>
    %add3A_13 = arith.addf %dot_general3A_11, %add3A_12 : vector<10240x1xf32>
    %rsqrt3A = math.rsqrt %add3A_13 : vector<10240x1xf32>
    %swap3A = arith.constant 0 : index
    %swap3A_14 = arith.constant 0 : index
    %swap3A_15 = vector.load %arg4[%swap3A, %swap3A_14] : memref<10240x1xf32, #tpu.memory_space<vmem>>, vector<10240x1xf32>
    tpu.vector_store %arg4[%swap3A, %swap3A_14], %rsqrt3A {strides = array<i32>} : memref<10240x1xf32, #tpu.memory_space<vmem>>, vector<10240x1xf32>,
    %slice3A = vector.extract_strided_slice %rsqrt3A {offsets = [0, 0], sizes = [10000, 1], strides = [1, 1]} : vector<10240x1xf32> to vector<10000x1xf32>
    %mul3A = vector.broadcast %slice3A : vector<10000x1xf32> to vector<10000x128xf32>
    %mul3A_16 = arith.mulf %dot_general3A_5, %mul3A : vector<10000x128xf32>
    %swap3A_17 = arith.constant 0 : index
    %swap3A_18 = arith.constant 0 : index
    %swap3A_19 = vector.load %arg3[%swap3A_17, %swap3A_18] : memref<10240x128xf32, #tpu.memory_space<vmem>>, vector<10000x128xf32>
    tpu.vector_store %arg3[%swap3A_17, %swap3A_18], %mul3A_16 {strides = array<i32>} : memref<10240x128xf32, #tpu.memory_space<vmem>>, vector<10000x128xf32>,
    %broadcast_in_dim3A_20 = arith.constant 0.000000e+00 : f32
    %broadcast_in_dim3A_21 = vector.broadcast %broadcast_in_dim3A_20 : f32 to vector<240x128xf32>
    %swap3A_22 = arith.constant 10000 : index
    %swap3A_23 = arith.constant 0 : index
    %swap3A_24 = vector.load %arg3[%swap3A_22, %swap3A_23] : memref<10240x128xf32, #tpu.memory_space<vmem>>, vector<240x128xf32>
    tpu.vector_store %arg3[%swap3A_22, %swap3A_23], %broadcast_in_dim3A_21 {strides = array<i32>} : memref<10240x128xf32, #tpu.memory_space<vmem>>, vector<240x128xf32>,
    return
  }
}

module attributes {stable_mosaic.version = 14 : i64} {
  func.func @body(%arg0: memref<2x320000xi32, #tpu.memory_space<vmem>>, %arg1: memref<7680xi32, #tpu.memory_space<vmem>>, %arg2: memref<327680xi32, #tpu.memory_space<vmem>>, %arg3: memref<327680xi32, #tpu.memory_space<vmem>>) attributes {dimension_semantics = [], scalar_prefetch = 0 : i64, scratch_operands = 0 : i64, tpu.core_type = #tpu.core_type<tc>} {
    %get3A = arith.constant 0 : index
    %get3A_0 = vector.load %arg1[%get3A] : memref<7680xi32, #tpu.memory_space<vmem>>, vector<7680xi32>
    %get3A_1 = arith.constant 0 : index
    %get3A_2 = arith.constant 0 : index
    %get3A_3 = vector.load %arg0[%get3A_1, %get3A_2] : memref<2x320000xi32, #tpu.memory_space<vmem>>, vector<1x320000xi32>
    %get3A_4 = vector.shape_cast %get3A_3 : vector<1x320000xi32> to vector<320000xi32>
    %swap3A = arith.constant 0 : index
    %swap3A_5 = vector.load %arg2[%swap3A] : memref<327680xi32, #tpu.memory_space<vmem>>, vector<320000xi32>
    tpu.vector_store %arg2[%swap3A], %get3A_4 {strides = array<i32>} : memref<327680xi32, #tpu.memory_space<vmem>>, vector<320000xi32>,
    %swap3A_6 = arith.constant 320000 : index
    %swap3A_7 = vector.load %arg2[%swap3A_6] : memref<327680xi32, #tpu.memory_space<vmem>>, vector<7680xi32>
    tpu.vector_store %arg2[%swap3A_6], %get3A_0 {strides = array<i32>} : memref<327680xi32, #tpu.memory_space<vmem>>, vector<7680xi32>,
    %get3A_8 = arith.constant 1 : index
    %get3A_9 = arith.constant 0 : index
    %get3A_10 = vector.load %arg0[%get3A_8, %get3A_9] : memref<2x320000xi32, #tpu.memory_space<vmem>>, vector<1x320000xi32>
    %get3A_11 = vector.shape_cast %get3A_10 : vector<1x320000xi32> to vector<320000xi32>
    %swap3A_12 = arith.constant 0 : index
    %swap3A_13 = vector.load %arg3[%swap3A_12] : memref<327680xi32, #tpu.memory_space<vmem>>, vector<320000xi32>
    tpu.vector_store %arg3[%swap3A_12], %get3A_11 {strides = array<i32>} : memref<327680xi32, #tpu.memory_space<vmem>>, vector<320000xi32>,
    %swap3A_14 = arith.constant 320000 : index
    %swap3A_15 = vector.load %arg3[%swap3A_14] : memref<327680xi32, #tpu.memory_space<vmem>>, vector<7680xi32>
    tpu.vector_store %arg3[%swap3A_14], %get3A_0 {strides = array<i32>} : memref<327680xi32, #tpu.memory_space<vmem>>, vector<7680xi32>,
    return
  }
}

module attributes {stable_mosaic.version = 14 : i64} {
  func.func @body(%arg0: i32, %arg1: memref<2x2000x128xf32, #tpu.memory_space<vmem>>, %arg2: memref<2000x1xf32, #tpu.memory_space<vmem>>, %arg3: memref<1x128xf32, #tpu.memory_space<vmem>>, %arg4: memref<2000x128xf32, #tpu.memory_space<vmem>>) attributes {dimension_semantics = [#tpu.dimension_semantics<arbitrary>], iteration_bounds = array<i64: 5>, scalar_prefetch = 0 : i64, scratch_operands = 0 : i64, tpu.core_type = #tpu.core_type<tc>, window_params = [{transform_indices = @transform_0, window_bounds = array<i64: 2, 2000, 128>}, {transform_indices = @transform_1, window_bounds = array<i64: 2000, 1>}, {pipeline_mode = #tpu.pipeline_mode<synchronous>, transform_indices = @transform_2, window_bounds = array<i64: 1, 128>}, {transform_indices = @transform_3, window_bounds = array<i64: 2000, 128>}]} {
    %get3A = arith.constant 0 : index
    %get3A_0 = arith.constant 0 : index
    %get3A_1 = arith.constant 0 : index
    %get3A_2 = vector.load %arg1[%get3A, %get3A_0, %get3A_1] : memref<2x2000x128xf32, #tpu.memory_space<vmem>>, vector<1x2000x128xf32>
    %get3A_3 = vector.shape_cast %get3A_2 : vector<1x2000x128xf32> to vector<2000x128xf32>
    %get3A_4 = arith.constant 1 : index
    %get3A_5 = arith.constant 0 : index
    %get3A_6 = arith.constant 0 : index
    %get3A_7 = vector.load %arg1[%get3A_4, %get3A_5, %get3A_6] : memref<2x2000x128xf32, #tpu.memory_space<vmem>>, vector<1x2000x128xf32>
    %get3A_8 = vector.shape_cast %get3A_7 : vector<1x2000x128xf32> to vector<2000x128xf32>
    %add3A = arith.addf %get3A_3, %get3A_8 : vector<2000x128xf32>
    %get3A_9 = arith.constant 0 : index
    %get3A_10 = arith.constant 0 : index
    %get3A_11 = vector.load %arg2[%get3A_9, %get3A_10] : memref<2000x1xf32, #tpu.memory_space<vmem>>, vector<2000x1xf32>
    %mul3A = vector.broadcast %get3A_11 : vector<2000x1xf32> to vector<2000x128xf32>
    %mul3A_12 = arith.mulf %add3A, %mul3A : vector<2000x128xf32>
    %get3A_13 = arith.constant 0 : index
    %get3A_14 = arith.constant 0 : index
    %get3A_15 = vector.load %arg3[%get3A_13, %get3A_14] : memref<1x128xf32, #tpu.memory_space<vmem>>, vector<1x128xf32>
    %add3A_16 = vector.broadcast %get3A_15 : vector<1x128xf32> to vector<2000x128xf32>
    %add3A_17 = arith.addf %mul3A_12, %add3A_16 : vector<2000x128xf32>
    %max3A = arith.constant 0.000000e+00 : f32
    %max3A_18 = vector.broadcast %max3A : f32 to vector<2000x128xf32>
    %max3A_19 = arith.maximumf %add3A_17, %max3A_18 : vector<2000x128xf32>
    %swap3A = arith.constant 0 : index
    %swap3A_20 = arith.constant 0 : index
    %swap3A_21 = vector.load %arg4[%swap3A, %swap3A_20] : memref<2000x128xf32, #tpu.memory_space<vmem>>, vector<2000x128xf32>
    tpu.vector_store %arg4[%swap3A, %swap3A_20], %max3A_19 {strides = array<i32>} : memref<2000x128xf32, #tpu.memory_space<vmem>>, vector<2000x128xf32>,
    return
  }
  func.func @transform_0(%arg0: i32) -> (i32, i32, i32) {
    %c0_i32 = arith.constant 0 : i32
    %c0_i32_0 = arith.constant 0 : i32
    %c0_i32_1 = arith.constant 0 : i32
    return %c0_i32, %arg0, %c0_i32_0 : i32, i32, i32
  }
  func.func @transform_1(%arg0: i32) -> (i32, i32) {
    %c0_i32 = arith.constant 0 : i32
    %c0_i32_0 = arith.constant 0 : i32
    return %arg0, %c0_i32 : i32, i32
  }
  func.func @transform_2(%arg0: i32) -> (i32, i32) {
    %c0_i32 = arith.constant 0 : i32
    %c0_i32_0 = arith.constant 0 : i32
    %c0_i32_1 = arith.constant 0 : i32
    return %c0_i32, %c0_i32_0 : i32, i32
  }
  func.func @transform_3(%arg0: i32) -> (i32, i32) {
    %c0_i32 = arith.constant 0 : i32
    %c0_i32_0 = arith.constant 0 : i32
    return %arg0, %c0_i32 : i32, i32
  }
}

</mosaic_0001>

<sc_bundles>
// kernel: kernel.10.cloned.1.call-start
scs
__scs_entry_jumppad:
0x0: {  	(pc) =	sbr.rel $0x88, $3  }
0x1: {  	(tag) =	ssettag $0x0;
	lr =	simm.s32 $0x1  }
0x2: {  	[smem:$0x3F9D] =	sst lr;
	_ =	strace $0xD0000000  }
0x3: {  	_ = 	snop  }
0x4: {  	_ = 	snop  }
0x5: {  	_ = 	snop  }
0x6: {  	_ = 	snop  }
0x7: {  	_ = 	snop  }
__scs_overlays_trampoline_lowered:
0x8: {  	[smem:$0x3FAC] =	sst s0  }
0x9: {  	[smem:$0x3FAD] =	sst s1  }
0xa: {  	[smem:$0x3FAE] =	sst s2  }
0xb: {  	[smem:$0x3FAF] =	sst s3  }
0xc: {  	[smem:$0x3FB0] =	sst s4  }
0xd: {  	[smem:$0x3FB1] =	sst s5  }
0xe: {  	[smem:$0x3FB2] =	sst s6  }
0xf: {  	[smem:$0x3FB3] =	sst s7  }
0x10: {  	[smem:$0x3FB4] =	sst s8  }
0x11: {  	[smem:$0x3FB5] =	sst s9;
	s0 =	simm.s32 @!p0 $0x0  }
0x12: {  	s1 =	sld [smem:$0x3F9B];
	s0 =	simm.s32 @p0 $0x1  }
0x13: {  	[smem:$0x3FB6] =	sst s0;
	s0 =	simm.s32 @!p1 $0x0  }
0x14: {  	s2 =	sld [smem:$0x3F9A];
	s0 =	simm.s32 @p1 $0x1  }
0x15: {  	[smem:$0x3FB7] =	sst s0;
	s0 =	simm.s32 @!p2 $0x0  }
0x16: {  	s3 =	sld [smem:$0x3FDB];
	s0 =	simm.s32 @p2 $0x1  }
0x17: {  	s4 =	simm.s32 $0x1BF5;
	[smem:$0x3FB9] =	sst s0  }
0x18: {  	s0 =	sld [smem:$0x3F9C];
	_ =	swait.ge [sflag:s4], $0x0  }
0x19: {  	s7 =	sld [smem:$0x3F9D]  }
0x1a: {  	s8 =	sadd.s32 $0xFFFFE003, lr  }
0x1b: {  	s9 =	sadd.s32 $0xFFFFFEF7, lr;
	s5 =	simm.s32 $0xFFFFFFFF;
	p2 =	slt.u32 s8, $0xFFFFF086  }
0x1c: {  	p1 =	slt.u32 s9, $0xF7A;
	s5 =	simm.s32 @!p2 $0x0  }
0x1d: {  	s5 =	simm.s32 @p1 $0x1;
	p0 =	seq.s32 s7, s2  }
0x1e: {  	s7 =	smul.u32 @!p0 $0xF7A, s2;
	p2 =	seq.s32 @!p0 s5, $0x0  }
0x1f: {  	s9 =	smul.u32 $0xF7A, s1;
	s8 =	simm.s32 @!p0 $0x1BF5;
	p2 =	por !p2, p0  }
0x20: {  	[sflag:s8] =	ssyncset.s32 @!p0 $0xFFFFF086;
	s6 =	sadd.s32 @!p0 s3, s7;
	s7 =	simm.s32 @!p0 $0x108  }
0x21: {  	s3 =	sadd.s32 s3, s9;
	s6 =	sadd.s32 @!p0 $0x88, s6;
	s7 =	simm.s32 @p2 $0x1082  }
0x22: {  	[simem:s7], [sflag:s8] =	dma.local @!p0 [hbm:s6], $0xF7A  }
0x23: {  	s9 =	sor.u32 $0xD0000000, s2;
	s6 =	simm.s32 $0x108;
	_ =	swait.ge @!p0 [sflag:s8], $0x0  }
0x24: {  	s3 =	sadd.s32 $0x88, s3;
	s6 =	simm.s32 @!p1 $0x1082;
	[sflag:s4] =	ssyncset.s32 $0xFFFFF086  }
0x25: {  	[simem:s6], [sflag:s4] =	dma.local [hbm:s3], $0xF7A  }
0x26: {  	[smem:$0x3F9D] =	sst s1;
	(tag) =	ssettag s2;
	_ =	strace s9  }
0x27: {  	s1 =	sld [smem:$0x3FAD]  }
0x28: {  	s2 =	sld [smem:$0x3FAE]  }
0x29: {  	s4 =	sld [smem:$0x3FB0]  }
0x2a: {  	p0 =	seq.s32 s5, $0x0;
	s5 =	sld [smem:$0x3FB1]  }
0x2b: {  	s6 =	sld [smem:$0x3FB2]  }
0x2c: {  	s7 =	sld [smem:$0x3FB3]  }
0x2d: {  	s3 =	simm.s32 $0x108;
	s8 =	sld [smem:$0x3FB4]  }
0x2e: {  	s3 =	simm.s32 @!p0 $0x1082;
	s9 =	sld [smem:$0x3FB5]  }
0x2f: {  	lr =	sadd.s32 s0, s3;
	s0 =	sld [smem:$0x3FAC]  }
0x30: {  	s3 =	sld [smem:$0x3FAF]  }
0x31: {  	[smem:$0x3FB8] =	sst s10  }
0x32: {  	s10 =	sld [smem:$0x3FB6];
	_ =	sdelay $0x3  }
0x33: {  	p0 =	seq.s32 s10, $0x1;
	s10 =	sld [smem:$0x3FB8];
	_ =	sdelay $0x3  }
0x34: {  	[smem:$0x3FB8] =	sst s10  }
0x35: {  	s10 =	sld [smem:$0x3FB7];
	_ =	sdelay $0x3  }
0x36: {  	p1 =	seq.s32 s10, $0x1;
	s10 =	sld [smem:$0x3FB8];
	_ =	sdelay $0x3  }
0x37: {  	[smem:$0x3FB8] =	sst s10  }
0x38: {  	s10 =	sld [smem:$0x3FB9]  }
0x39: {  	_ = 	snop;
	(pc) =	sbr.ind lr, $3  }
0x3a: {  	_ = 	snop  }
0x3b: {  	_ = 	snop  }
0x3c: {  	p2 =	seq.s32 s10, $0x1;
	s10 =	sld [smem:$0x3FB8]  }
0x3d: {  	_ =	shalt  }
0x3e: {  	_ =	shalt  }
0x3f: {  	_ =	shalt  }
0x40: {  	_ =	shalt  }
0x41: {  	_ =	shalt  }
0x42: {  	_ =	shalt  }
0x43: {  	_ =	shalt  }
0x44: {  	_ =	shalt  }
0x45: {  	_ =	shalt  }
0x46: {  	_ =	shalt  }
0x47: {  	_ =	shalt  }
0x48: {  	_ =	shalt  }
0x49: {  	_ =	shalt  }
0x4a: {  	_ =	shalt  }
0x4b: {  	_ =	shalt  }
0x4c: {  	_ =	shalt  }
0x4d: {  	_ =	shalt  }
0x4e: {  	_ =	shalt  }
0x4f: {  	_ =	shalt  }
0x50: {  	_ =	shalt  }
0x51: {  	_ =	shalt  }
0x52: {  	_ =	shalt  }
0x53: {  	_ =	shalt  }
0x54: {  	_ =	shalt  }
0x55: {  	_ =	shalt  }
0x56: {  	_ =	shalt  }
0x57: {  	_ =	shalt  }
0x58: {  	_ =	shalt  }
0x59: {  	_ =	shalt  }
0x5a: {  	_ =	shalt  }
0x5b: {  	_ =	shalt  }
0x5c: {  	_ =	shalt  }
0x5d: {  	_ =	shalt  }
0x5e: {  	_ =	shalt  }
0x5f: {  	_ =	shalt  }
0x60: {  	_ =	shalt  }
0x61: {  	_ =	shalt  }
0x62: {  	_ =	shalt  }
0x63: {  	_ =	shalt  }
0x64: {  	_ =	shalt  }
0x65: {  	_ =	shalt  }
0x66: {  	_ =	shalt  }
0x67: {  	_ =	shalt  }
0x68: {  	_ =	shalt  }
0x69: {  	_ =	shalt  }
0x6a: {  	_ =	shalt  }
0x6b: {  	_ =	shalt  }
0x6c: {  	_ =	shalt  }
0x6d: {  	_ =	shalt  }
0x6e: {  	_ =	shalt  }
0x6f: {  	_ =	shalt  }
0x70: {  	_ =	shalt  }
0x71: {  	_ =	shalt  }
0x72: {  	_ =	shalt  }
0x73: {  	_ =	shalt  }
0x74: {  	_ =	shalt  }
0x75: {  	_ =	shalt  }
0x76: {  	_ =	shalt  }
0x77: {  	_ =	shalt  }
0x78: {  	_ =	shalt  }
0x79: {  	_ =	shalt  }
0x7a: {  	_ =	shalt  }
0x7b: {  	_ =	shalt  }
0x7c: {  	_ =	shalt  }
0x7d: {  	_ =	shalt  }
0x7e: {  	_ =	shalt  }
0x7f: {  	_ =	shalt  }
0x80: {  	_ =	shalt  }
0x81: {  	_ =	shalt  }
0x82: {  	_ =	shalt  }
0x83: {  	_ =	shalt  }
0x84: {  	_ =	shalt  }
0x85: {  	_ =	shalt  }
0x86: {  	_ =	shalt  }
0x87: {  	_ =	shalt  }
.Lfunc_end0:
.L_simem_size_0:
called_computation.1_lowered:
.L_overlay_start_0:
0x88: {  	s2 =	sld [smem:$0x3FD9]  }
0x89: {  	s3 =	sld [smem:$0x3FFE];
	_ =	sdelay $0x1  }
0x8a: {  	s1 =	srdreg.scid  }
0x8b: {  	s0 =	sand.u32 $0x1, s1  }
0x8c: {  	s17 =	sshll.u32 s0, $0xA;
	s2 =	sadd.s32 s3, s2  }
0x8d: {  	s2 =	sadd.s32 s2, s17  }
0x8e: {  	[smem:$0x3FC4] =	sst s2  }
0x8f: {  	_ = 	snop  }
0x90: {  	s2 =	sld [smem:$0x3FD0];
	(tm) =	ssettm $0x1  }
0x91: {  	s18 =	sld [smem:$0x3FFB];
	_ =	sdelay $0x3  }
0x92: {  	_ =	strace s18  }
0x93: {  	s3 =	sld [smem:$0x3FFC];
	_ =	sdelay $0x3  }
0x94: {  	_ =	strace s3  }
0x95: {  	s3 =	sld [smem:$0x3FFD];
	_ =	sdelay $0x3  }
0x96: {  	_ =	strace s3  }
0x97: {  	_ =	strace $0x8FFFFFFF  }
0x98: {  	s19 =	sld [smem:$0x3FDB];
	_ =	sdelay $0x1  }
0x99: {  	s4 =	simm.s32 $_scs_section_size  }
0x9a: {  	s5 =	simm.s32 $_size__tile_overlayer_lowered;
	s6 =	simm.s32 $_tile_overlayer_lowered  }
0x9b: {  	s22 =	simm.s32 $0x1BFF;
	s21 =	sshll.u32 s6, $0x1;
	s3 =	sadd.s32 s4, s19  }
0x9c: {  	s7 =	simm.s32 $0x0;
	s20 =	sshll.u32 s5, $0x1;
	s5 =	sadd.s32 s21, s3  }
0x9d: {  	[timem:s7], [sflag:s22] =	dma.local [hbm:s5], s20  }
0x9e: {  	_ =	swait.ge [sflag:s22], s20  }
0x9f: {  	s4 =	ssub.s32 $0x0, s20;
	[sflag:s22] =	ssyncset.done $0x0  }
0xa0: {  	[sflag:s22] =	ssyncadd.s32 s4;
	_ =	sdelay $0x1  }
0xa1: {  	s23 =	simm.s32 $0x1B8B  }
0xa2: {  	_ =	swait.ge [sflag:s23], $0x1  }
0xa3: {  	[sflag:s23] =	ssyncset.done $0x0  }
0xa4: {  	s25 =	simm.s32 $0x1B8E;
	s24 =	sld [smem:$0x3FFE];
	[sflag:s23] =	ssyncadd.s32 $0xFFFFFFFF  }
0xa5: {  	s26 =	simm.s32 $execute0_lowered;
	[smem:$0x3FD2] =	sst s25  }
0xa6: {  	s5 =	sshll.u32 s26, $0x1;
	_ =	strace $0x80000049;
	[dreg:$0x1] =	wrdreg $0xFFFFFFFF  }
0xa7: {  	s28 =	simm.s32 $_size_execute0_lowered;
	s3 =	sadd.s32 s3, s5;
	[dreg:$0x0] =	wrdreg $0x0  }
0xa8: {  	s5 =	sshll.u32 s28, $0x1;
	[dreg:$0x2] =	wrdreg s3  }
0xa9: {  	[dreg:$0x3] =	wrdreg s5  }
0xaa: {  	[dreg:$0x4] =	wrdreg $0xC0  }
0xab: {  	_ =	task [dreg:s7], $0x5FFFF  }
0xac: {  	[dreg:$0x1] =	wrdreg $0xFFFFFFFF  }
0xad: {  	[dreg:$0x0] =	wrdreg $0x60  }
0xae: {  	[dreg:$0x2] =	wrdreg s24  }
0xaf: {  	[dreg:$0x3] =	wrdreg s2  }
0xb0: {  	[dreg:$0x4] =	wrdreg $0x84000  }
0xb1: {  	[dreg:$0x5] =	wrdreg $0x9  }
0xb2: {  	_ =	task.clear_ibuf [dreg:s7], $0x6FFFF;
	_ =	strace $0x90000049  }
0xb3: {  	s29 =	simm.s32 $0x9;
	_ =	strace $0x8000004B  }
0xb4: {  	_ =	swait.ge [sflag:s29], $0x1  }
0xb5: {  	[sflag:s29] =	ssyncadd.s32 $0xFFFFFFFF  }
0xb6: {  	_ =	strace $0x9000004B  }
0xb7: {  	_ =	sfence  }
0xb8: {  	s30 =	sld [smem:$0x0];
	_ =	sdelay $0x2  }
0xb9: {  	s31 =	sshll.u32 s1, $0xD;
	s1 =	sshrl.u32 s1, $0x2  }
0xba: {  	s3 =	sand.u32 $0x4000, s31;
	s1 =	sadd.s32 s1, s30  }
0xbb: {  	s0 =	sor.u32 s3, s0;
	s1 =	sshll.u32 s1, $0x11  }
0xbc: {  	s0 =	sor.u32 s1, s0  }
0xbd: {  	s0 =	sadd.s32 $0x8F2B, s0  }
0xbe: {  	[sflag:s0] =	ssyncadd.remote.s32 $0x1  }
0xbf: {  	_ =	sfence.sel $0xFFFF  }
0xc0: {  	[dreg:$0x0] =	wrdreg $0xFFFFFFFF;
	(pc) =	sbr.abs _section_cstart, $3  }
0xc1: {  	[dreg:$0x1] =	wrdreg $0xFFFFFFFF  }
0xc2: {  	_ =	task.clear_ibuf [dreg:s7], $0x2FFFF;
	_ =	strace $0x9FFFFFFF  }
0xc3: {  	(tm) =	ssettm $0x7FFFFFFF  }
tec
execute0_lowered:
.L_overlay_start_1:
0x0: {  	(tag) =	ssettag $0x1  }
0x1: {  	s0 =	rddreg [dreg:$0x0]  }
0x2: {  	s2 =	rddreg [dreg:$0x1]  }
0x3: {  	s1 =	rddreg [dreg:$0x2]  }
0x4: {  	s3 =	srdreg.scid;
	s23 =	stileid.u32  }
0x5: {  	s28 =	simm.s32 $0x80;
	s29 =	simm.s32 $0x280;
	s7 =	smul.u32 $0x14000, s23  }
0x6: {  	s30 =	simm.s32 $0x1;
	s31 =	simm.s32 $0x100;
	s9 =	smul.u32 $0x50000, s23  }
0x7: {  	s5 =	sand.u32 $0x1, s3;
	s3 =	simm.s32 $0x0;
	s22 =	smul.u32 $0x5000, s23  }
0x8: {  	s4 =	sadd.s32 $0xC400, s0;
	s8 =	sadd.s32 $0x2400, s0;
	s26 =	smul.u32 $0x2800, s23  }
0x9: {  	s18 =	sshll.u32 s23, $0x1;
	s10 =	sadd.s32 $0x34400, s0;
	s6 =	smul.u32 $0x140000, s5  }
0xa: {  	[smem:$0x7FF] =	sst s3;
	s19 =	sor.u32 s5, s18;
	s20 =	ssub.s32 $0x2, s5  }
0xb: {  	s25 =	smul.u32 $0x2800, s5;
	p0 =	sne.s32 s5, $0x0;
	s5 =	simm.s32 $0x4400  }
0xc: {  	_ =	strace $0x8000004A;
	[dreg:$0x4] =	wrdreg s10;
	s9 =	sshrl.u32 s9, $0x2  }
0xd: {  	s21 =	smul.u32 $0x2800, s19;
	s11 =	sshrl.u32 s20, $0x1;
	s26 =	sadd.s32 s4, s26  }
0xe: {  	s6 =	sadd.s32 s7, s6;
	s7 =	ssub.s32 s20, s11;
	[dreg:$0xd] =	wrdreg s26  }
0xf: {  	s26 =	simm.s32 $0x200;
	s11 =	simm.s32 $0x4;
	s6 =	sshrl.u32 s6, $0x3  }
0x10: {  	s10 =	sshrl.u32 s21, $0x3;
	s0 =	sadd.s32 s6, s0;
	s6 =	sadd.s32 s9, s1  }
0x11: {  	s13 =	sadd.s32 s8, s10;
	s15 =	sor.u32 $0x10, s10;
	s9 =	sadd.s32 s25, s22  }
0x12: {  	s10 =	sadd.s32 s2, s10;
	s24 =	sadd.s32 $0x4000, s6;
	[dreg:$0x7] =	wrdreg s13  }
0x13: {  	s12 =	sadd.s32 $0x8000, s6;
	[dreg:$0x8] =	wrdreg s10;
	s16 =	sadd.s32 s8, s15  }
0x14: {  	s17 =	sor.u32 $0x280, s9;
	s18 =	sadd.s32 s2, s15;
	[dreg:$0x5] =	wrdreg s24  }
0x15: {  	s19 =	sor.u32 $0x200, s9;
	s21 =	sor.u32 $0x180, s9;
	[dreg:$0x6] =	wrdreg s12  }
0x16: {  	s9 =	sor.u32 $0x100, s9;
	s25 =	sadd.s32 $0x10000, s6;
	[dreg:$0x9] =	wrdreg s16  }
0x17: {  	s0 =	sadd.s32 $0x34C00, s0;
	[dreg:$0xa] =	wrdreg s18;
	s10 =	sshrl.u32 s17, $0x3  }
0x18: {  	s20 =	sshrl.u32 s19, $0x3;
	s22 =	sshrl.u32 s21, $0x3;
	[dreg:$0xc] =	wrdreg s25  }
0x19: {  	s9 =	sshrl.u32 s9, $0x3;
	s24 =	sadd.s32 $0xC000, s6;
	[dreg:$0xe] =	wrdreg s0  }
0x1a: {  	s25 =	smax.u32 s7, $0x1;
	s0 =	simm.s32 $0x300;
	s7 =	simm.s32 $0x400  }
.Ltmp0:
0x1b: {  	s12 =	simm.s32 $0x0;
	s13 =	sadd.s32 s10, s2;
	(pc) =	sbr.rel .LBB2_1-.Ltmp0, $4  }
0x1c: {  	s14 =	sadd.s32 s10, s8;
	s15 =	sadd.s32 s20, s2;
	s16 =	sadd.s32 s20, s8  }
0x1d: {  	s17 =	sadd.s32 s22, s2;
	s18 =	sadd.s32 s22, s8;
	s19 =	sadd.s32 s9, s2  }
0x1e: {  	s20 =	sadd.s32 s9, s8;
	[dreg:$0xb] =	wrdreg s24;
	s2 =	simm.s32 $0x2  }
0x1f: {  	s8 =	simm.s32 $0x180;
	s9 =	simm.s32 $0x380;
	s10 =	simm.s32 $0x3  }
.LBB2_4:
0x20: {  	_ =	swait.ge [sflag:s2], $0x4000  }
0x21: {  	[sflag:s2] =	ssyncset.done $0x0  }
0x22: {  	[sflag:s2] =	ssyncadd.s32 $0xFFFFC000  }
0x23: {  	[spmem:s1] =	stream.indirect.scatter.add.f32 [tilespmem:s5], [sflag:$0x3], $0x80, s9, s28, $0xb8;
	[tilespmem:$0x1C400] =	vst v63  }
0x24: {  	_ =	swait.ge [sflag:s10], $0x4000  }
0x25: {  	[sflag:s10] =	ssyncset.done $0x0  }
0x26: {  	[sflag:s10] =	ssyncadd.s32 $0xFFFFC000  }
0x27: {  	_ =	swait.ge [sflag:s10], $0x4000  }
0x28: {  	s23 =	stileid.u32;
	[sflag:s10] =	ssyncset.done $0x0  }
0x29: {  	s22 =	sshrl.u32 s6, $0x3;
	s12 =	sadd.s32 $0x1, s12;
	[sflag:s10] =	ssyncadd.s32 $0xFFFFC000  }
0x2a: {  	s21 =	sshll.u32 s23, $0x6;
	p1 =	sne.s32 s12, s25;
	[bflag:$0x0] =	sbarrier.arrive $0xFFFF  }
.Ltmp1:
0x2b: {  	s21 =	sor.u32 $0x1C04, s21;
	s24 =	rddreg [dreg:$0xe];
	(pc) =	sbr.rel @!p1 .LBB2_5-.Ltmp1, $4  }
0x2c: {  	[hbm:s24], [sflag:s21] =	dma.local [spmem:s22], $0x2800  }
0x2d: {  	_ =	swait.ge [sflag:s11], $0x2800  }
0x2e: {  	[sflag:s11] =	ssyncset.done $0x0  }
0x2f: {  	[sflag:s11] =	ssyncadd.s32 $0xFFFFD800  }
.LBB2_1:
0x30: {  	s21 =	simm.s32 @p0 $0x0;
	s22 =	simm.s32 @p0 $0x400;
	s24 =	rddreg [dreg:$0x4]  }
0x31: {  	[tilespmem:s22], [sflag:$0x4] =	stream.linear.gather @p0 [hbm4b:s24+s21], $0x4000, $0x38;
	[tilespmem:$0x1C400] =	vst v63  }
0x32: {  	s21 =	simm.s32 @p0 $0x4  }
0x33: {  	_ =	swait.ge @p0 [sflag:s21], $0x4000  }
0x34: {  	[sflag:s21] =	ssyncset.done @p0 $0x0  }
0x35: {  	[sflag:s21] =	ssyncadd.s32 @p0 $0xFFFFC000  }
0x36: {  	[spmem:s6] =	stream.linear.scatter @p0 [tilespmem:s22], [sflag:$0x4], $0x4000, $0x38;
	[tilespmem:$0x1C400] =	vst v63  }
0x37: {  	_ =	swait.ge @p0 [sflag:s21], $0x4000  }
0x38: {  	[sflag:s21] =	ssyncset.done @p0 $0x0  }
0x39: {  	s24 =	rddreg [dreg:$0x5];
	[sflag:s21] =	ssyncadd.s32 @p0 $0xFFFFC000  }
0x3a: {  	[spmem:s24] =	stream.linear.scatter @p0 [tilespmem:s22], [sflag:$0x4], $0x4000, $0x38;
	[tilespmem:$0x1C400] =	vst v63  }
0x3b: {  	_ =	swait.ge @p0 [sflag:s21], $0x4000  }
0x3c: {  	[sflag:s21] =	ssyncset.done @p0 $0x0  }
0x3d: {  	s24 =	rddreg [dreg:$0x6];
	[sflag:s21] =	ssyncadd.s32 @p0 $0xFFFFC000  }
0x3e: {  	[spmem:s24] =	stream.linear.scatter @p0 [tilespmem:s22], [sflag:$0x4], $0x4000, $0x38;
	[tilespmem:$0x1C400] =	vst v63  }
0x3f: {  	_ =	swait.ge @p0 [sflag:s21], $0x4000  }
0x40: {  	[sflag:s21] =	ssyncset.done @p0 $0x0  }
0x41: {  	s24 =	rddreg [dreg:$0xb];
	[sflag:s21] =	ssyncadd.s32 @p0 $0xFFFFC000  }
0x42: {  	[spmem:s24] =	stream.linear.scatter @p0 [tilespmem:s22], [sflag:$0x4], $0x4000, $0x38;
	[tilespmem:$0x1C400] =	vst v63  }
0x43: {  	_ =	swait.ge @p0 [sflag:s21], $0x4000  }
0x44: {  	[sflag:s21] =	ssyncset.done @p0 $0x0  }
0x45: {  	s24 =	rddreg [dreg:$0xc];
	[sflag:s21] =	ssyncadd.s32 @p0 $0xFFFFC000  }
0x46: {  	[spmem:s24] =	stream.linear.scatter @p0 [tilespmem:s22], [sflag:$0x4], $0x4000, $0x38;
	[tilespmem:$0x1C400] =	vst v63  }
0x47: {  	_ =	swait.ge @p0 [sflag:s21], $0x4000  }
0x48: {  	s22 =	sshll.u32 @!p0 s23, $0x6;
	[sflag:s21] =	ssyncset.done @p0 $0x0;
	s23 =	rddreg [dreg:$0xd]  }
0x49: {  	[sflag:s21] =	ssyncadd.s32 @p0 $0xFFFFC000;
	s21 =	sor.u32 @!p0 $0x1C04, s22;
	s22 =	sshrl.u32 @!p0 s6, $0x3  }
0x4a: {  	[spmem:s22], [sflag:s21] =	dma.local @!p0 [hbm:s23], $0x2800  }
0x4b: {  	s21 =	simm.s32 @!p0 $0x4  }
0x4c: {  	_ =	swait.ge @!p0 [sflag:s21], $0x2800  }
0x4d: {  	[sflag:s21] =	ssyncset.done @!p0 $0x0  }
0x4e: {  	[sflag:s21] =	ssyncadd.s32 @!p0 $0xFFFFD800  }
0x4f: {  	[bflag:$0x0] =	sbarrier.arrive $0xFFFF  }
0x50: {  	s24 =	rddreg [dreg:$0x7]  }
0x51: {  	[tilespmem:s3], [sflag:$0x1] =	stream.linear.gather [hbm4b:s24+s3], $0x80, $0x38;
	[tilespmem:$0x1C400] =	vst v63  }
0x52: {  	s22 =	rddreg [dreg:$0x8]  }
0x53: {  	[tilespmem:s26], [sflag:$0x1] =	stream.linear.gather [hbm4b:s22+s3], $0x80, $0x38;
	[tilespmem:$0x1C400] =	vst v63  }
0x54: {  	s23 =	rddreg [dreg:$0x9]  }
0x55: {  	[tilespmem:s28], [sflag:$0x1] =	stream.linear.gather [hbm4b:s23+s3], $0x80, $0x38;
	[tilespmem:$0x1C400] =	vst v63  }
0x56: {  	s21 =	simm.s32 $0x0;
	s24 =	rddreg [dreg:$0xa]  }
0x57: {  	[tilespmem:s29], [sflag:$0x1] =	stream.linear.gather [hbm4b:s24+s3], $0x80, $0x38;
	[tilespmem:$0x1C400] =	vst v63  }
.LBB2_2:
0x58: {  	_ =	swait.ge [sflag:s30], $0x80  }
0x59: {  	[sflag:s30] =	ssyncset.done $0x0  }
0x5a: {  	[sflag:s30] =	ssyncadd.s32 $0xFFFFFF80  }
0x5b: {  	_ =	swait.ge [sflag:s30], $0x80  }
0x5c: {  	p1 =	sne.s32 s21, $0x0;
	[sflag:s30] =	ssyncset.done $0x0  }
0x5d: {  	s22 =	simm.s32 @p1 $0x3;
	[sflag:s30] =	ssyncadd.s32 $0xFFFFFF80  }
0x5e: {  	_ =	swait.ge @p1 [sflag:s22], $0x4000  }
0x5f: {  	s23 =	simm.s32 @p1 $0x0;
	[sflag:s22] =	ssyncset.done @p1 $0x0  }
0x60: {  	s24 =	simm.s32 @p1 $0x400;
	[sflag:s22] =	ssyncadd.s32 @p1 $0xFFFFC000;
	s22 =	simm.s32 @p1 $0x80  }
0x61: {  	[tilespmem:s24], [sflag:$0x2] =	stream.indirect.gather @p1 [hbm4b:s4+s22], $0x80, s23, s22, $0xb8;
	[tilespmem:$0x1C400] =	vst v63  }
0x62: {  	s23 =	simm.s32 @p1 $0x2  }
0x63: {  	_ =	swait.ge @p1 [sflag:s23], $0x4000  }
0x64: {  	[sflag:s23] =	ssyncset.done @p1 $0x0  }
0x65: {  	s24 =	simm.s32 @p1 $0x4400;
	[sflag:s23] =	ssyncadd.s32 @p1 $0xFFFFC000;
	s23 =	simm.s32 @p1 $0x380  }
0x66: {  	[spmem:s1] =	stream.indirect.scatter.add.f32 @p1 [tilespmem:s24], [sflag:$0x3], $0x80, s23, s22, $0xb8;
	[tilespmem:$0x1C400] =	vst v63  }
0x67: {  	s22 =	simm.s32 @!p1 $0x80;
	s23 =	simm.s32 @!p1 $0x0;
	s24 =	simm.s32 @!p1 $0x400  }
0x68: {  	[tilespmem:s24], [sflag:$0x2] =	stream.indirect.gather @!p1 [hbm4b:s4+s22], $0x80, s23, s22, $0xb8;
	[tilespmem:$0x1C400] =	vst v63  }
0x69: {  	s23 =	sadd.s32 s21, s20  }
0x6a: {  	[tilespmem:s31], [sflag:$0x1] =	stream.linear.gather [hbm4b:s23+s3], $0x80, $0x38;
	[tilespmem:$0x1C400] =	vst v63  }
0x6b: {  	s24 =	sadd.s32 s21, s19  }
0x6c: {  	[tilespmem:s0], [sflag:$0x1] =	stream.linear.gather [hbm4b:s24+s3], $0x80, $0x38;
	[tilespmem:$0x1C400] =	vst v63  }
0x6d: {  	_ =	swait.ge [sflag:s30], $0x80  }
0x6e: {  	[sflag:s30] =	ssyncset.done $0x0  }
0x6f: {  	[sflag:s30] =	ssyncadd.s32 $0xFFFFFF80  }
0x70: {  	_ =	swait.ge [sflag:s30], $0x80  }
0x71: {  	p1 =	seq.s32 s21, $0x0;
	[sflag:s30] =	ssyncset.done $0x0  }
0x72: {  	s22 =	simm.s32 @!p1 $0x3;
	[sflag:s30] =	ssyncadd.s32 $0xFFFFFF80  }
0x73: {  	_ =	swait.ge @!p1 [sflag:s22], $0x4000  }
0x74: {  	[sflag:s22] =	ssyncset.done @!p1 $0x0  }
0x75: {  	[sflag:s22] =	ssyncadd.s32 @!p1 $0xFFFFC000  }
0x76: {  	[tilespmem:s5], [sflag:$0x2] =	stream.indirect.gather [hbm4b:s4+s28], $0x80, s28, s28, $0xb8;
	[tilespmem:$0x1C400] =	vst v63  }
0x77: {  	_ =	swait.ge [sflag:s2], $0x4000  }
0x78: {  	[sflag:s2] =	ssyncset.done $0x0  }
0x79: {  	[sflag:s2] =	ssyncadd.s32 $0xFFFFC000  }
0x7a: {  	[spmem:s1] =	stream.indirect.scatter.add.f32 [tilespmem:s7], [sflag:$0x3], $0x80, s26, s28, $0xb8;
	[tilespmem:$0x1C400] =	vst v63  }
0x7b: {  	s23 =	sadd.s32 s21, s18  }
0x7c: {  	[tilespmem:s8], [sflag:$0x1] =	stream.linear.gather [hbm4b:s23+s3], $0x80, $0x38;
	[tilespmem:$0x1C400] =	vst v63  }
0x7d: {  	s24 =	sadd.s32 s21, s17  }
0x7e: {  	[tilespmem:s9], [sflag:$0x1] =	stream.linear.gather [hbm4b:s24+s3], $0x80, $0x38;
	[tilespmem:$0x1C400] =	vst v63  }
0x7f: {  	_ =	swait.ge [sflag:s30], $0x80  }
0x80: {  	[sflag:s30] =	ssyncset.done $0x0  }
0x81: {  	[sflag:s30] =	ssyncadd.s32 $0xFFFFFF80  }
0x82: {  	_ =	swait.ge [sflag:s30], $0x80  }
0x83: {  	[sflag:s30] =	ssyncset.done $0x0  }
0x84: {  	[sflag:s30] =	ssyncadd.s32 $0xFFFFFF80  }
0x85: {  	_ =	swait.ge [sflag:s10], $0x4000  }
0x86: {  	[sflag:s10] =	ssyncset.done $0x0  }
0x87: {  	[sflag:s10] =	ssyncadd.s32 $0xFFFFC000  }
0x88: {  	[tilespmem:s7], [sflag:$0x2] =	stream.indirect.gather [hbm4b:s4+s28], $0x80, s31, s28, $0xb8;
	[tilespmem:$0x1C400] =	vst v63  }
0x89: {  	_ =	swait.ge [sflag:s2], $0x4000  }
0x8a: {  	[sflag:s2] =	ssyncset.done $0x0  }
0x8b: {  	p1 =	seq.s32 s21, $0x4C0;
	[sflag:s2] =	ssyncadd.s32 $0xFFFFC000  }
0x8c: {  	[spmem:s1] =	stream.indirect.scatter.add.f32 [tilespmem:s5], [sflag:$0x3], $0x80, s29, s28, $0xb8;
	[tilespmem:$0x1C400] =	vst v63  }
0x8d: {  	s22 =	sadd.s32 @!p1 s21, s16;
	s23 =	simm.s32 @!p1 $0x0  }
0x8e: {  	[tilespmem:s23], [sflag:$0x1] =	stream.linear.gather @!p1 [hbm4b:s22+s23], $0x80, $0x38;
	[tilespmem:$0x1C400] =	vst v63  }
0x8f: {  	s24 =	simm.s32 @!p1 $0x200;
	s22 =	sadd.s32 @!p1 s21, s15  }
0x90: {  	[tilespmem:s24], [sflag:$0x1] =	stream.linear.gather @!p1 [hbm4b:s22+s23], $0x80, $0x38;
	[tilespmem:$0x1C400] =	vst v63  }
0x91: {  	_ =	swait.ge [sflag:s30], $0x80  }
0x92: {  	[sflag:s30] =	ssyncset.done $0x0  }
0x93: {  	[sflag:s30] =	ssyncadd.s32 $0xFFFFFF80  }
0x94: {  	_ =	swait.ge [sflag:s30], $0x80  }
0x95: {  	[sflag:s30] =	ssyncset.done $0x0  }
0x96: {  	[sflag:s30] =	ssyncadd.s32 $0xFFFFFF80  }
0x97: {  	_ =	swait.ge [sflag:s10], $0x4000  }
0x98: {  	[sflag:s10] =	ssyncset.done $0x0  }
0x99: {  	[sflag:s10] =	ssyncadd.s32 $0xFFFFC000  }
0x9a: {  	[tilespmem:s5], [sflag:$0x2] =	stream.indirect.gather [hbm4b:s4+s28], $0x80, s8, s28, $0xb8;
	[tilespmem:$0x1C400] =	vst v63  }
.Ltmp2:
0x9b: {  	_ = 	snop;
	(pc) =	sbr.rel @p1 .LBB2_4-.Ltmp2, $4  }
0x9c: {  	_ =	swait.ge [sflag:s2], $0x4000  }
0x9d: {  	[sflag:s2] =	ssyncset.done $0x0  }
0x9e: {  	[sflag:s2] =	ssyncadd.s32 $0xFFFFC000  }
0x9f: {  	[spmem:s1] =	stream.indirect.scatter.add.f32 [tilespmem:s7], [sflag:$0x3], $0x80, s0, s28, $0xb8;
	[tilespmem:$0x1C400] =	vst v63  }
.Ltmp3:
0xa0: {  	(pc) =	sbr.rel .LBB2_2-.Ltmp3, $4  }
0xa1: {  	s22 =	sadd.s32 s21, s14  }
0xa2: {  	[tilespmem:s28], [sflag:$0x1] =	stream.linear.gather [hbm4b:s22+s3], $0x80, $0x38;
	[tilespmem:$0x1C400] =	vst v63  }
0xa3: {  	s24 =	sadd.s32 s21, s13;
	s21 =	sadd.s32 $0x40, s21  }
0xa4: {  	[tilespmem:s29], [sflag:$0x1] =	stream.linear.gather [hbm4b:s24+s3], $0x80, $0x38;
	[tilespmem:$0x1C400] =	vst v63  }
.LBB2_5:
0xa5: {  	_ =	sfence.sel $0x180000  }
0xa6: {  	[bflag:$0x0] =	sbarrier.arrive $0xFFFF  }
0xa7: {  	_ =	strace $0x9000004A  }
0xa8: {  	[bflag:$0x2] =	sbarrier.arrive $0xFFFF  }
0xa9: {  	p0 =	sne.s32 s23, $0x0;
	s0 =	rddreg [dreg:$0x3]  }
0xaa: {  	s0 =	sadd.s32 @!p0 $0x100000, s0  }
0xab: {  	[sflag:s0] =	ssyncadd.tile.s32 @!p0 $0x1;
	_ =	shalt  }
.Lfunc_end2:
_tile_overlayer_lowered:
.L_overlay_start_2:
0xac: {  	(tag) =	ssettag $0x2  }
0xad: {  	s0 =	rddreg [dreg:$0x0];
	s2 =	stileid.u32  }
0xae: {  	s1 =	rddreg [dreg:$0x1];
	p0 =	sne.s32 s2, $0x0  }
0xaf: {  	s3 =	rddreg [dreg:$0x2];
	[bflag:$0x3] =	sbarrier.arrive $0xFFFF;
	s2 =	simm.s32 @!p0 $0x1C04  }
0xb0: {  	[timem:s3], [sflag:s2] =	dma.local @!p0 [hbm:s0], s1  }
0xb1: {  	s0 =	simm.s32 @!p0 $0x4  }
0xb2: {  	_ =	swait.ge @!p0 [sflag:s0], s1  }
0xb3: {  	s1 =	ssub.s32 @!p0 $0x0, s1;
	[sflag:s0] =	ssyncset.done @!p0 $0x0  }
0xb4: {  	[sflag:s0] =	ssyncadd.s32 @!p0 s1  }
0xb5: {  	[bflag:$0x3] =	sbarrier.arrive $0xFFFF  }
0xb6: {  	_ =	shalt  }

// kernel: kernel.7.cloned.1.call-start
scs
__scs_entry_jumppad:
0x0: {  	(pc) =	sbr.rel $0x88, $3  }
0x1: {  	(tag) =	ssettag $0x0;
	lr =	simm.s32 $0x1  }
0x2: {  	[smem:$0x3F9D] =	sst lr;
	_ =	strace $0xD0000000  }
0x3: {  	_ = 	snop  }
0x4: {  	_ = 	snop  }
0x5: {  	_ = 	snop  }
0x6: {  	_ = 	snop  }
0x7: {  	_ = 	snop  }
__scs_overlays_trampoline_lowered:
0x8: {  	[smem:$0x3FAC] =	sst s0  }
0x9: {  	[smem:$0x3FAD] =	sst s1  }
0xa: {  	[smem:$0x3FAE] =	sst s2  }
0xb: {  	[smem:$0x3FAF] =	sst s3  }
0xc: {  	[smem:$0x3FB0] =	sst s4  }
0xd: {  	[smem:$0x3FB1] =	sst s5  }
0xe: {  	[smem:$0x3FB2] =	sst s6  }
0xf: {  	[smem:$0x3FB3] =	sst s7  }
0x10: {  	[smem:$0x3FB4] =	sst s8  }
0x11: {  	[smem:$0x3FB5] =	sst s9;
	s0 =	simm.s32 @!p0 $0x0  }
0x12: {  	s1 =	sld [smem:$0x3F9B];
	s0 =	simm.s32 @p0 $0x1  }
0x13: {  	[smem:$0x3FB6] =	sst s0;
	s0 =	simm.s32 @!p1 $0x0  }
0x14: {  	s2 =	sld [smem:$0x3F9A];
	s0 =	simm.s32 @p1 $0x1  }
0x15: {  	[smem:$0x3FB7] =	sst s0;
	s0 =	simm.s32 @!p2 $0x0  }
0x16: {  	s3 =	sld [smem:$0x3FDB];
	s0 =	simm.s32 @p2 $0x1  }
0x17: {  	s4 =	simm.s32 $0x1BF5;
	[smem:$0x3FB9] =	sst s0  }
0x18: {  	s0 =	sld [smem:$0x3F9C];
	_ =	swait.ge [sflag:s4], $0x0  }
0x19: {  	s7 =	sld [smem:$0x3F9D]  }
0x1a: {  	s8 =	sadd.s32 $0xFFFFE003, lr  }
0x1b: {  	s9 =	sadd.s32 $0xFFFFFEF7, lr;
	s5 =	simm.s32 $0xFFFFFFFF;
	p2 =	slt.u32 s8, $0xFFFFF086  }
0x1c: {  	p1 =	slt.u32 s9, $0xF7A;
	s5 =	simm.s32 @!p2 $0x0  }
0x1d: {  	s5 =	simm.s32 @p1 $0x1;
	p0 =	seq.s32 s7, s2  }
0x1e: {  	s7 =	smul.u32 @!p0 $0xF7A, s2;
	p2 =	seq.s32 @!p0 s5, $0x0  }
0x1f: {  	s9 =	smul.u32 $0xF7A, s1;
	s8 =	simm.s32 @!p0 $0x1BF5;
	p2 =	por !p2, p0  }
0x20: {  	[sflag:s8] =	ssyncset.s32 @!p0 $0xFFFFF086;
	s6 =	sadd.s32 @!p0 s3, s7;
	s7 =	simm.s32 @!p0 $0x108  }
0x21: {  	s3 =	sadd.s32 s3, s9;
	s6 =	sadd.s32 @!p0 $0x88, s6;
	s7 =	simm.s32 @p2 $0x1082  }
0x22: {  	[simem:s7], [sflag:s8] =	dma.local @!p0 [hbm:s6], $0xF7A  }
0x23: {  	s9 =	sor.u32 $0xD0000000, s2;
	s6 =	simm.s32 $0x108;
	_ =	swait.ge @!p0 [sflag:s8], $0x0  }
0x24: {  	s3 =	sadd.s32 $0x88, s3;
	s6 =	simm.s32 @!p1 $0x1082;
	[sflag:s4] =	ssyncset.s32 $0xFFFFF086  }
0x25: {  	[simem:s6], [sflag:s4] =	dma.local [hbm:s3], $0xF7A  }
0x26: {  	[smem:$0x3F9D] =	sst s1;
	(tag) =	ssettag s2;
	_ =	strace s9  }
0x27: {  	s1 =	sld [smem:$0x3FAD]  }
0x28: {  	s2 =	sld [smem:$0x3FAE]  }
0x29: {  	s4 =	sld [smem:$0x3FB0]  }
0x2a: {  	p0 =	seq.s32 s5, $0x0;
	s5 =	sld [smem:$0x3FB1]  }
0x2b: {  	s6 =	sld [smem:$0x3FB2]  }
0x2c: {  	s7 =	sld [smem:$0x3FB3]  }
0x2d: {  	s3 =	simm.s32 $0x108;
	s8 =	sld [smem:$0x3FB4]  }
0x2e: {  	s3 =	simm.s32 @!p0 $0x1082;
	s9 =	sld [smem:$0x3FB5]  }
0x2f: {  	lr =	sadd.s32 s0, s3;
	s0 =	sld [smem:$0x3FAC]  }
0x30: {  	s3 =	sld [smem:$0x3FAF]  }
0x31: {  	[smem:$0x3FB8] =	sst s10  }
0x32: {  	s10 =	sld [smem:$0x3FB6];
	_ =	sdelay $0x3  }
0x33: {  	p0 =	seq.s32 s10, $0x1;
	s10 =	sld [smem:$0x3FB8];
	_ =	sdelay $0x3  }
0x34: {  	[smem:$0x3FB8] =	sst s10  }
0x35: {  	s10 =	sld [smem:$0x3FB7];
	_ =	sdelay $0x3  }
0x36: {  	p1 =	seq.s32 s10, $0x1;
	s10 =	sld [smem:$0x3FB8];
	_ =	sdelay $0x3  }
0x37: {  	[smem:$0x3FB8] =	sst s10  }
0x38: {  	s10 =	sld [smem:$0x3FB9]  }
0x39: {  	_ = 	snop;
	(pc) =	sbr.ind lr, $3  }
0x3a: {  	_ = 	snop  }
0x3b: {  	_ = 	snop  }
0x3c: {  	p2 =	seq.s32 s10, $0x1;
	s10 =	sld [smem:$0x3FB8]  }
0x3d: {  	_ =	shalt  }
0x3e: {  	_ =	shalt  }
0x3f: {  	_ =	shalt  }
0x40: {  	_ =	shalt  }
0x41: {  	_ =	shalt  }
0x42: {  	_ =	shalt  }
0x43: {  	_ =	shalt  }
0x44: {  	_ =	shalt  }
0x45: {  	_ =	shalt  }
0x46: {  	_ =	shalt  }
0x47: {  	_ =	shalt  }
0x48: {  	_ =	shalt  }
0x49: {  	_ =	shalt  }
0x4a: {  	_ =	shalt  }
0x4b: {  	_ =	shalt  }
0x4c: {  	_ =	shalt  }
0x4d: {  	_ =	shalt  }
0x4e: {  	_ =	shalt  }
0x4f: {  	_ =	shalt  }
0x50: {  	_ =	shalt  }
0x51: {  	_ =	shalt  }
0x52: {  	_ =	shalt  }
0x53: {  	_ =	shalt  }
0x54: {  	_ =	shalt  }
0x55: {  	_ =	shalt  }
0x56: {  	_ =	shalt  }
0x57: {  	_ =	shalt  }
0x58: {  	_ =	shalt  }
0x59: {  	_ =	shalt  }
0x5a: {  	_ =	shalt  }
0x5b: {  	_ =	shalt  }
0x5c: {  	_ =	shalt  }
0x5d: {  	_ =	shalt  }
0x5e: {  	_ =	shalt  }
0x5f: {  	_ =	shalt  }
0x60: {  	_ =	shalt  }
0x61: {  	_ =	shalt  }
0x62: {  	_ =	shalt  }
0x63: {  	_ =	shalt  }
0x64: {  	_ =	shalt  }
0x65: {  	_ =	shalt  }
0x66: {  	_ =	shalt  }
0x67: {  	_ =	shalt  }
0x68: {  	_ =	shalt  }
0x69: {  	_ =	shalt  }
0x6a: {  	_ =	shalt  }
0x6b: {  	_ =	shalt  }
0x6c: {  	_ =	shalt  }
0x6d: {  	_ =	shalt  }
0x6e: {  	_ =	shalt  }
0x6f: {  	_ =	shalt  }
0x70: {  	_ =	shalt  }
0x71: {  	_ =	shalt  }
0x72: {  	_ =	shalt  }
0x73: {  	_ =	shalt  }
0x74: {  	_ =	shalt  }
0x75: {  	_ =	shalt  }
0x76: {  	_ =	shalt  }
0x77: {  	_ =	shalt  }
0x78: {  	_ =	shalt  }
0x79: {  	_ =	shalt  }
0x7a: {  	_ =	shalt  }
0x7b: {  	_ =	shalt  }
0x7c: {  	_ =	shalt  }
0x7d: {  	_ =	shalt  }
0x7e: {  	_ =	shalt  }
0x7f: {  	_ =	shalt  }
0x80: {  	_ =	shalt  }
0x81: {  	_ =	shalt  }
0x82: {  	_ =	shalt  }
0x83: {  	_ =	shalt  }
0x84: {  	_ =	shalt  }
0x85: {  	_ =	shalt  }
0x86: {  	_ =	shalt  }
0x87: {  	_ =	shalt  }
.Lfunc_end0:
.L_simem_size_0:
called_computation_lowered:
.L_overlay_start_0:
0x88: {  	s2 =	sld [smem:$0x3FD9]  }
0x89: {  	s3 =	sld [smem:$0x3FFE];
	_ =	sdelay $0x1  }
0x8a: {  	s1 =	srdreg.scid  }
0x8b: {  	s0 =	sand.u32 $0x1, s1  }
0x8c: {  	s17 =	sshll.u32 s0, $0xA;
	s2 =	sadd.s32 s3, s2  }
0x8d: {  	s2 =	sadd.s32 s2, s17  }
0x8e: {  	[smem:$0x3FC4] =	sst s2  }
0x8f: {  	_ = 	snop  }
0x90: {  	s2 =	sld [smem:$0x3FD0];
	(tm) =	ssettm $0x1  }
0x91: {  	s18 =	sld [smem:$0x3FFB];
	_ =	sdelay $0x3  }
0x92: {  	_ =	strace s18  }
0x93: {  	s3 =	sld [smem:$0x3FFC];
	_ =	sdelay $0x3  }
0x94: {  	_ =	strace s3  }
0x95: {  	s3 =	sld [smem:$0x3FFD];
	_ =	sdelay $0x3  }
0x96: {  	_ =	strace s3  }
0x97: {  	_ =	strace $0x8FFFFFFF  }
0x98: {  	s19 =	sld [smem:$0x3FDB];
	_ =	sdelay $0x1  }
0x99: {  	s4 =	simm.s32 $_scs_section_size  }
0x9a: {  	s5 =	simm.s32 $_size__tile_overlayer_lowered;
	s6 =	simm.s32 $_tile_overlayer_lowered  }
0x9b: {  	s22 =	simm.s32 $0x1BFF;
	s21 =	sshll.u32 s6, $0x1;
	s3 =	sadd.s32 s4, s19  }
0x9c: {  	s7 =	simm.s32 $0x0;
	s20 =	sshll.u32 s5, $0x1;
	s5 =	sadd.s32 s21, s3  }
0x9d: {  	[timem:s7], [sflag:s22] =	dma.local [hbm:s5], s20  }
0x9e: {  	_ =	swait.ge [sflag:s22], s20  }
0x9f: {  	s4 =	ssub.s32 $0x0, s20;
	[sflag:s22] =	ssyncset.done $0x0  }
0xa0: {  	[sflag:s22] =	ssyncadd.s32 s4;
	_ =	sdelay $0x1  }
0xa1: {  	s23 =	simm.s32 $0x1B8B  }
0xa2: {  	_ =	swait.ge [sflag:s23], $0x1  }
0xa3: {  	[sflag:s23] =	ssyncset.done $0x0  }
0xa4: {  	s25 =	simm.s32 $0x1B8E;
	s24 =	sld [smem:$0x3FFE];
	[sflag:s23] =	ssyncadd.s32 $0xFFFFFFFF  }
0xa5: {  	s26 =	simm.s32 $execute0_lowered;
	[smem:$0x3FD2] =	sst s25  }
0xa6: {  	s5 =	sshll.u32 s26, $0x1;
	_ =	strace $0x80000046;
	[dreg:$0x1] =	wrdreg $0xFFFFFFFF  }
0xa7: {  	s28 =	simm.s32 $_size_execute0_lowered;
	s3 =	sadd.s32 s3, s5;
	[dreg:$0x0] =	wrdreg $0x0  }
0xa8: {  	s5 =	sshll.u32 s28, $0x1;
	[dreg:$0x2] =	wrdreg s3  }
0xa9: {  	[dreg:$0x3] =	wrdreg s5  }
0xaa: {  	[dreg:$0x4] =	wrdreg $0xC0  }
0xab: {  	_ =	task [dreg:s7], $0x5FFFF  }
0xac: {  	[dreg:$0x1] =	wrdreg $0xFFFFFFFF  }
0xad: {  	[dreg:$0x0] =	wrdreg $0x60  }
0xae: {  	[dreg:$0x2] =	wrdreg s2  }
0xaf: {  	[dreg:$0x3] =	wrdreg s24  }
0xb0: {  	[dreg:$0x4] =	wrdreg $0x9  }
0xb1: {  	_ =	task.clear_ibuf [dreg:s7], $0x5FFFF;
	_ =	strace $0x90000046  }
0xb2: {  	s29 =	simm.s32 $0x9;
	_ =	strace $0x80000048  }
0xb3: {  	_ =	swait.ge [sflag:s29], $0x1  }
0xb4: {  	[sflag:s29] =	ssyncadd.s32 $0xFFFFFFFF  }
0xb5: {  	_ =	strace $0x90000048  }
0xb6: {  	_ =	sfence  }
0xb7: {  	s30 =	sld [smem:$0x0];
	_ =	sdelay $0x2  }
0xb8: {  	s31 =	sshll.u32 s1, $0xD;
	s1 =	sshrl.u32 s1, $0x2  }
0xb9: {  	s3 =	sand.u32 $0x4000, s31;
	s1 =	sadd.s32 s1, s30  }
0xba: {  	s0 =	sor.u32 s3, s0;
	s1 =	sshll.u32 s1, $0x11  }
0xbb: {  	s0 =	sor.u32 s1, s0  }
0xbc: {  	s0 =	sadd.s32 $0x8F2B, s0  }
0xbd: {  	[sflag:s0] =	ssyncadd.remote.s32 $0x1  }
0xbe: {  	_ =	sfence.sel $0xFFFF  }
0xbf: {  	[dreg:$0x0] =	wrdreg $0xFFFFFFFF;
	(pc) =	sbr.abs _section_cstart, $3  }
0xc0: {  	[dreg:$0x1] =	wrdreg $0xFFFFFFFF  }
0xc1: {  	_ =	task.clear_ibuf [dreg:s7], $0x2FFFF;
	_ =	strace $0x9FFFFFFF  }
0xc2: {  	(tm) =	ssettm $0x7FFFFFFF  }
0xc3: {  	_ =	shalt  }
tec
execute0_lowered:
.L_overlay_start_1:
0x0: {  	(tag) =	ssettag $0x1  }
0x1: {  	s4 =	rddreg [dreg:$0x0];
	s1 =	srdreg.scid  }
0x2: {  	s0 =	stileid.u32;
	s5 =	rddreg [dreg:$0x1]  }
0x3: {  	s9 =	simm.s32 $0x80;
	s10 =	simm.s32 $0x400;
	s11 =	simm.s32 $0x0  }
0x4: {  	s3 =	sand.u32 $0x1, s1;
	s2 =	sshll.u32 s0, $0x1;
	s1 =	rddreg [dreg:$0x2]  }
0x5: {  	s7 =	sshrl.u32 s0, $0x2;
	s6 =	sor.u32 s3, s2;
	s2 =	simm.s32 $0x0  }
0x6: {  	s7 =	smul.u32 $0x14000, s7;
	s30 =	ssub.s32 $0x2, s3;
	s8 =	sshll.u32 s6, $0x7  }
0x7: {  	s3 =	sadd.s32 $0xC400, s5;
	s6 =	smul.u32 $0x500, s6;
	s8 =	sand.u32 $0x380, s8  }
0x8: {  	[smem:$0x7FF] =	sst s2;
	s31 =	sshrl.u32 s30, $0x1;
	s7 =	sor.u32 s7, s8  }
0x9: {  	_ =	strace $0x80000047;
	s4 =	sadd.s32 s4, s6;
	s7 =	sshrl.u32 s7, $0x3  }
0xa: {  	s8 =	simm.s32 $0x2800;
	s5 =	sadd.s32 s7, s5;
	s7 =	ssub.s32 s30, s31  }
0xb: {  	v0 =	vimm.f32 $1.000000000e+00;
	s5 =	sadd.s32 $0xCA00, s5;
	s6 =	smax.u32 s7, $0x1;
	s7 =	simm.s32 $0x1  }
.LBB2_1:
0xc: {  	[tilespmem:s2], [sflag:$0x1] =	stream.linear.gather [hbm4b:s3+s2], $0x2800, $0x38;
	[tilespmem:$0x5000] =	vst v63  }
0xd: {  	_ =	swait.ge [sflag:s7], $0x2800  }
0xe: {  	[sflag:s7] =	ssyncset.done $0x0  }
0xf: {  	[sflag:s7] =	ssyncadd.s32 $0xFFFFD800  }
0x10: {  	[tilespmem:s8], [sflag:$0x1] =	stream.linear.gather [hbm4b:s4+s2], $0x2800, $0x38;
	[tilespmem:$0x5000] =	vst v63  }
0x11: {  	_ =	swait.ge [sflag:s7], $0x2800  }
0x12: {  	[sflag:s7] =	ssyncset.done $0x0  }
0x13: {  	s12 =	simm.s32 $0x0;
	[sflag:s7] =	ssyncadd.s32 $0xFFFFD800  }
.LBB2_2:
0x14: {  	s13 =	sshra.s32 s12, $0x2  }
0x15: {  	v1 =	vld [tilespmem:s13+$0x2800];
	_ =	sdelay $0x7  }
0x16: {  	[tilespmem:v1+s2+$0x0] =	vst.idx.add.f32.msk $0xffff, v0  }
0x17: {  	v1 =	vld [tilespmem:s13+$0x2810];
	_ =	sdelay $0x7  }
0x18: {  	[tilespmem:v1+s2+$0x0] =	vst.idx.add.f32.msk $0xffff, v0  }
0x19: {  	v1 =	vld [tilespmem:s13+$0x2820];
	_ =	sdelay $0x7  }
0x1a: {  	[tilespmem:v1+s2+$0x0] =	vst.idx.add.f32.msk $0xffff, v0  }
0x1b: {  	v1 =	vld [tilespmem:s13+$0x2830];
	_ =	sdelay $0x7  }
0x1c: {  	[tilespmem:v1+s2+$0x0] =	vst.idx.add.f32.msk $0xffff, v0  }
0x1d: {  	v1 =	vld [tilespmem:s13+$0x2840];
	_ =	sdelay $0x7  }
0x1e: {  	[tilespmem:v1+s2+$0x0] =	vst.idx.add.f32.msk $0xffff, v0  }
0x1f: {  	v1 =	vld [tilespmem:s13+$0x2850];
	_ =	sdelay $0x7  }
0x20: {  	[tilespmem:v1+s2+$0x0] =	vst.idx.add.f32.msk $0xffff, v0  }
0x21: {  	v1 =	vld [tilespmem:s13+$0x2860];
	_ =	sdelay $0x7  }
0x22: {  	[tilespmem:v1+s2+$0x0] =	vst.idx.add.f32.msk $0xffff, v0  }
0x23: {  	v1 =	vld [tilespmem:s13+$0x2870];
	_ =	sdelay $0x2  }
0x24: {  	p0 =	sne.s32 s12, $0x9E00  }
.Ltmp0:
0x25: {  	_ = 	snop;
	(pc) =	sbr.rel @p0 .LBB2_2-.Ltmp0, $2  }
0x26: {  	_ =	sdelay $0x2  }
0x27: {  	s12 =	sadd.s32 $0x200, s12;
	[tilespmem:v1+s2+$0x0] =	vst.idx.add.f32.msk $0xffff, v0  }
0x28: {  	s11 =	sadd.s32 $0x1, s11  }
0x29: {  	p0 =	sne.s32 s11, s6  }
.Ltmp1:
0x2a: {  	_ = 	snop;
	(pc) =	sbr.rel @p0 .LBB2_1-.Ltmp1, $4  }
0x2b: {  	[hbm4b:s5+s9] =	stream.strided.scatter [tilespmem:s2], [sflag:$0x1], $0x2800, s10, s9, $0x38;
	[tilespmem:$0x5000] =	vst v63  }
0x2c: {  	_ =	swait.ge [sflag:s7], $0x2800  }
0x2d: {  	[sflag:s7] =	ssyncset.done $0x0  }
0x2e: {  	[sflag:s7] =	ssyncadd.s32 $0xFFFFD800  }
0x2f: {  	_ =	sfence.sel $0x180000  }
0x30: {  	[bflag:$0x0] =	sbarrier.arrive $0xFFFF  }
0x31: {  	p0 =	sne.s32 s0, $0x0;
	_ =	strace $0x90000047  }
0x32: {  	s0 =	sadd.s32 @!p0 $0x100000, s1;
	[bflag:$0x2] =	sbarrier.arrive $0xFFFF  }
0x33: {  	[sflag:s0] =	ssyncadd.tile.s32 @!p0 $0x1;
	_ =	shalt  }
.Lfunc_end2:
_tile_overlayer_lowered:
.L_overlay_start_2:
0x34: {  	(tag) =	ssettag $0x2  }
0x35: {  	s0 =	rddreg [dreg:$0x0];
	s2 =	stileid.u32  }
0x36: {  	s1 =	rddreg [dreg:$0x1];
	p0 =	sne.s32 s2, $0x0  }
0x37: {  	s3 =	rddreg [dreg:$0x2];
	[bflag:$0x3] =	sbarrier.arrive $0xFFFF;
	s2 =	simm.s32 @!p0 $0x1C01  }
0x38: {  	[timem:s3], [sflag:s2] =	dma.local @!p0 [hbm:s0], s1  }
0x39: {  	s0 =	simm.s32 @!p0 $0x1  }
0x3a: {  	_ =	swait.ge @!p0 [sflag:s0], s1  }
0x3b: {  	s1 =	ssub.s32 @!p0 $0x0, s1;
	[sflag:s0] =	ssyncset.done @!p0 $0x0  }
0x3c: {  	[sflag:s0] =	ssyncadd.s32 @!p0 s1  }
0x3d: {  	[bflag:$0x3] =	sbarrier.arrive $0xFFFF  }
0x3e: {  	_ =	shalt  }

</sc_bundles>
